<compile_context>
chip_gen: v7x
topology: tpu7x:2x2x1
jax: 0.10.2.dev20260603
libtpu: 0.0.44.dev20260713+nightly
codegen_flags: <defaults>
</compile_context>

<pallas_src>
import functools

import jax
import jax.numpy as jnp
from jax import lax
from jax.experimental import pallas as pl
from jax.experimental.pallas import tpu as pltpu
from jax.experimental.pallas import tpu_sc as plsc

NUM_LAYERS = 12
DUAL = 2
POOL = 256
LENGTH = 8
HEADS = 12
HDIM = 64
BATCH = 128
TOPK = 2

NGROUP_IN = NUM_LAYERS * DUAL * LENGTH * HEADS
NGROUP_OUT = NUM_LAYERS * DUAL * TOPK * LENGTH * HEADS
IN_SLAB = HDIM * POOL
OUT_SLAB = HDIM * BATCH
NTRIPLE = NUM_LAYERS * LENGTH * HEADS


def _sc_lane_gather(vin, g_addr):
    info = plsc.get_sparse_core_info()
    nc, ns, nl = info.num_cores, info.num_subcores, info.num_lanes
    nw = nc * ns
    tpw = NTRIPLE // nw

    mesh = plsc.VectorSubcoreMesh(core_axis_name="c", subcore_axis_name="s")

    @functools.partial(
        pl.kernel,
        mesh=mesh,
        out_type=jax.ShapeDtypeStruct((NGROUP_OUT * OUT_SLAB,), jnp.float32),
        compiler_params=pltpu.CompilerParams(needs_layout_passes=False),
        scratch_types=[
            pltpu.VMEM((TOPK * DUAL * BATCH,), jnp.int32),
            pltpu.VMEM((DUAL * IN_SLAB,), jnp.float32),
            pltpu.VMEM((DUAL * IN_SLAB,), jnp.float32),
            pltpu.VMEM((TOPK * DUAL * OUT_SLAB,), jnp.float32),
            pltpu.SemaphoreType.DMA,
            pltpu.SemaphoreType.DMA,
            pltpu.SemaphoreType.DMA,
        ],
    )
    def body(vin_hbm, g_hbm, out_hbm, g_v, buf_a, buf_b, buf_out,
             sem_a, sem_b, sem_out):
        wid = lax.axis_index("s") * nc + lax.axis_index("c")
        pltpu.sync_copy(g_hbm, g_v)
        bufs = (buf_a, buf_b)
        sems = (sem_a, sem_b)

        def start_in(t, buf, sem):
            l = t // (LENGTH * HEADS)
            rem = t % (LENGTH * HEADS)
            g0 = l * (DUAL * LENGTH * HEADS) + rem
            for dd in range(DUAL):
                pltpu.async_copy(
                    vin_hbm.at[pl.ds((g0 + dd * (LENGTH * HEADS)) * IN_SLAB,
                                     IN_SLAB)],
                    buf.at[pl.ds(dd * IN_SLAB, IN_SLAB)], sem)

        def wait_in(buf, sem):
            for dd in range(DUAL):
                pltpu.make_async_copy(
                    vin_hbm.at[pl.ds(0, IN_SLAB)],
                    buf.at[pl.ds(dd * IN_SLAB, IN_SLAB)], sem).wait()

        def wait_out():
            for c in range(TOPK * DUAL):
                pltpu.make_async_copy(
                    buf_out.at[pl.ds(c * OUT_SLAB, OUT_SLAB)],
                    out_hbm.at[pl.ds(0, OUT_SLAB)], sem_out).wait()

        start_in(wid * tpw, buf_a, sem_a)

        @pl.loop(0, tpw, step=2)
        def outer(j):
            for bsel in range(2):
                je = j + bsel
                t = wid * tpw + je
                l = t // (LENGTH * HEADS)
                rem = t % (LENGTH * HEADS)
                s = rem // HEADS
                h = rem % HEADS
                buf_in = bufs[bsel]

                @pl.when(je + 1 < tpw)
                def _():
                    start_in(t + 1, bufs[1 - bsel], sems[1 - bsel])

                @pl.when(je > 0)
                def _():
                    wait_out()
                wait_in(buf_in, sems[bsel])

                def combo_body(c, carry2):
                    dprime = c // TOPK
                    k = c % TOPK

                    @plsc.parallel_loop(0, HDIM * (BATCH // 16), unroll=64)
                    def blk(v):
                        e = v // (BATCH // 16)
                        i = v % (BATCH // 16)
                        base = (e // 8) * (8 * POOL) + (e % 8) * BATCH
                        av = g_v[pl.ds(c * BATCH + i * 16, 16)] + base
                        val = plsc.load_gather(buf_in, [av])
                        buf_out[pl.ds(c * OUT_SLAB + e * BATCH + i * 16, 16)] = val
                    q = (l * DUAL + dprime) * (TOPK * LENGTH * HEADS) \
                        + (k * LENGTH + s) * HEADS + h
                    pltpu.async_copy(
                        buf_out.at[pl.ds(c * OUT_SLAB, OUT_SLAB)],
                        out_hbm.at[pl.ds(q * OUT_SLAB, OUT_SLAB)], sem_out)
                    return carry2

                lax.fori_loop(0, TOPK * DUAL, combo_body, 0)

        wait_out()

    return body(vin, g_addr)


def kernel(x_embed, prompt_idx, prompt):
    del x_embed
    idx32 = prompt_idx.astype(jnp.int32)

    vin = prompt.transpose(0, 1, 3, 4, 5, 2)
    vin = vin.reshape(NUM_LAYERS, DUAL, LENGTH, HEADS, 8, 8, 2, 128)
    vin = vin.transpose(0, 1, 2, 3, 4, 6, 5, 7)
    vin = vin.reshape(NGROUP_IN * IN_SLAB)

    bprime = jnp.arange(BATCH, dtype=jnp.int32)
    dprime = jnp.array([0, 0, 1, 1], dtype=jnp.int32)
    kk = jnp.array([0, 1, 0, 1], dtype=jnp.int32)
    m = 2 * bprime[None, :] + dprime[:, None]
    d = m // BATCH
    b = m % BATCH
    p = idx32[b, kk[:, None]]
    g_addr = (d * IN_SLAB + (p // 128) * (8 * 128) + p % 128).reshape(-1)

    vout = _sc_lane_gather(vin, g_addr)

    out = vout.reshape(NUM_LAYERS, DUAL, TOPK * LENGTH, HEADS, HDIM, BATCH)
    out = out.transpose(0, 5, 1, 2, 3, 4)
    return (prompt_idx, out)

# --- scband reference (transcript-rebuilt; emitter-appended) ---
"""Pipeline reference for scband-eprompt-7189775253740 (READ-ONLY COPY).

The authoritative reference and input builder live on the scoring server;
editing this copy changes nothing except your own understanding.
"""

import jax, jax.numpy as jnp
import numpy as np

NUM_LAYERS = 12
POOL_SIZE = 256
LENGTH = 8
NUM_HEADS = 12
EMBED_DIM = 768
HEAD_DIM = EMBED_DIM // NUM_HEADS
BATCH = 128
TOP_K = 2


def setup_inputs(seed: int = 0) -> dict:
    key = jax.random.key(seed)
    k1, k2, k3 = jax.random.split(key, 3)
    x_embed = jax.random.normal(k1, (BATCH, EMBED_DIM), dtype=jnp.float32)
    prompt_idx = jax.random.randint(k2, (BATCH, TOP_K), 0, POOL_SIZE, dtype=jnp.int64 if jax.config.jax_enable_x64 else jnp.int32)
    # learned prompt pool parameter: (num_layers, dual=2, pool_size, length, num_heads, head_dim), uniform(-1, 1)
    prompt = jax.random.uniform(k3, (NUM_LAYERS, 2, POOL_SIZE, LENGTH, NUM_HEADS, HEAD_DIM), minval=-1.0, maxval=1.0, dtype=jnp.float32)
    return {"x_embed": x_embed, "prompt_idx": prompt_idx, "prompt": prompt}


def reference(x_embed, prompt_idx, prompt):
    # prompt_pool=True, use_prefix_tune_for_e_prompt=True, batchwise_prompt=False,
    # prompt_mask=None, prompt_weight=None, prompt_momentum=0 -> plain pool gather branch.
    idx = prompt_idx
    # self.prompt[:, :, idx] -> (num_layers, dual, batch, top_k, length, num_heads, head_dim)
    batched_prompt_raw = prompt[:, :, idx]
    num_layers, dual, batch_size, top_k, length, num_heads, heads_embed_dim = batched_prompt_raw.shape
    # torch .reshape (no transpose) -> same flat element order
    batched_prompt = batched_prompt_raw.reshape(num_layers, batch_size, dual, top_k * length, num_heads, heads_embed_dim)
    # out dict had {'prompt_idx': idx, 'batched_prompt': batched_prompt}; return arrays
    return (idx, batched_prompt)

if __name__ == "__main__":
    import jax
    _d = setup_inputs()
    print(jax.jit(kernel)(*tuple(_d.values())))

</pallas_src>

<mosaic_0001>
#map = affine_map<(d0, d1) -> (0)>
module attributes {stable_mosaic.version = 14 : i64} {
  func.func @body(%arg0: i32, %arg1: i32, %arg2: memref<37748736xf32, #tpu.memory_space<hbm>>, %arg3: memref<512xi32, #tpu.memory_space<hbm>>, %arg4: memref<37748736xf32, #tpu.memory_space<hbm>>, %arg5: memref<512xi32, #tpu.memory_space<vmem>>, %arg6: memref<32768xf32, #tpu.memory_space<vmem>>, %arg7: memref<32768xf32, #tpu.memory_space<vmem>>, %arg8: memref<32768xf32, #tpu.memory_space<vmem>>, %arg9: memref<!tpu.dma_semaphore, #tpu.memory_space<semaphore_mem>>, %arg10: memref<!tpu.dma_semaphore, #tpu.memory_space<semaphore_mem>>, %arg11: memref<!tpu.dma_semaphore, #tpu.memory_space<semaphore_mem>>) attributes {dimension_semantics = [#tpu.dimension_semantics<core_parallel>, #tpu.dimension_semantics<subcore_parallel>], iteration_bounds = array<i64: 2, 16>, scalar_prefetch = 0 : i64, scratch_operands = 7 : i64, tpu.core_type = #tpu.core_type<sc_vector_subcore>, window_params = [{transform_indices = #map}, {transform_indices = #map}, {transform_indices = #map}]} {
    %mul3A = arith.constant 2 : i32
    %mul3A_0 = arith.muli %arg1, %mul3A : i32
    %add3A = arith.addi %mul3A_0, %arg0 : i32
    "tpu.region"() ({
      %run_scoped3A = tpu.sem_alloc : memref<!tpu.dma_semaphore, #tpu.memory_space<semaphore_mem>>
      tpu.enqueue_dma source(%arg3 : memref<512xi32, #tpu.memory_space<hbm>>) target(%arg5 : memref<512xi32, #tpu.memory_space<vmem>>) target_semaphore(%run_scoped3A : memref<!tpu.dma_semaphore, #tpu.memory_space<semaphore_mem>>)
      tpu.wait_dma2 semaphore(%run_scoped3A : memref<!tpu.dma_semaphore, #tpu.memory_space<semaphore_mem>>) src(%arg3 : memref<512xi32, #tpu.memory_space<hbm>>) dst(%arg5 : memref<512xi32, #tpu.memory_space<vmem>>)
      tpu.yield
    }) : () -> ()
    %mul3A_1 = arith.constant 36 : i32
    %mul3A_2 = arith.muli %add3A, %mul3A_1 : i32
    %jit3A = arith.constant 96 : i32
    %div3A = arith.divsi %mul3A_2, %jit3A : i32
    %sign3A = arith.constant 0 : i32
    %sign3A_3 = arith.cmpi sgt, %mul3A_2, %sign3A : i32
    %sign3A_4 = arith.extui %sign3A_3 : i1 to i32
    %sign3A_5 = arith.constant 0 : i32
    %sign3A_6 = arith.cmpi slt, %mul3A_2, %sign3A_5 : i32
    %sign3A_7 = arith.extui %sign3A_6 : i1 to i32
    %sign3A_8 = arith.subi %sign3A_4, %sign3A_7 : i32
    %sign3A_9 = arith.constant 0 : i32
    %sign3A_10 = arith.cmpi sgt, %jit3A, %sign3A_9 : i32
    %sign3A_11 = arith.extui %sign3A_10 : i1 to i32
    %sign3A_12 = arith.constant 0 : i32
    %sign3A_13 = arith.cmpi slt, %jit3A, %sign3A_12 : i32
    %sign3A_14 = arith.extui %sign3A_13 : i1 to i32
    %sign3A_15 = arith.subi %sign3A_11, %sign3A_14 : i32
    %ne3A = arith.cmpi ne, %sign3A_8, %sign3A_15 : i32
    %rem3A = arith.remsi %mul3A_2, %jit3A : i32
    %ne3A_16 = arith.constant 0 : i32
    %ne3A_17 = arith.cmpi ne, %rem3A, %ne3A_16 : i32
    %and3A = arith.andi %ne3A, %ne3A_17 : i1
    %sub3A = arith.constant 1 : i32
    %sub3A_18 = arith.subi %div3A, %sub3A : i32
    %select_n3A = arith.select %and3A, %sub3A_18, %div3A : i32
    %jit3A_19 = arith.constant 96 : i32
    %eq3A = arith.constant 0 : i32
    %eq3A_20 = arith.cmpi eq, %jit3A_19, %eq3A : i32
    %jit3A_21 = arith.constant 1 : i32
    %select_n3A_22 = arith.select %eq3A_20, %jit3A_21, %jit3A_19 : i32
    %rem3A_23 = arith.remsi %mul3A_2, %select_n3A_22 : i32
    %ne3A_24 = arith.constant 0 : i32
    %ne3A_25 = arith.cmpi ne, %rem3A_23, %ne3A_24 : i32
    %lt3A = arith.constant 0 : i32
    %lt3A_26 = arith.cmpi slt, %rem3A_23, %lt3A : i32
    %lt3A_27 = arith.constant 0 : i32
    %lt3A_28 = arith.cmpi slt, %select_n3A_22, %lt3A_27 : i32
    %ne3A_29 = arith.xori %lt3A_26, %lt3A_28 : i1
    %and3A_30 = arith.andi %ne3A_29, %ne3A_25 : i1
    %add3A_31 = arith.addi %rem3A_23, %select_n3A_22 : i32
    %select_n3A_32 = arith.select %and3A_30, %add3A_31, %rem3A_23 : i32
    %mul3A_33 = arith.constant 192 : i32
    %mul3A_34 = arith.muli %select_n3A, %mul3A_33 : i32
    %add3A_35 = arith.addi %mul3A_34, %select_n3A_32 : i32
    %add3A_36 = arith.constant 0 : i32
    %add3A_37 = arith.addi %add3A_35, %add3A_36 : i32
    %mul3A_38 = arith.constant 16384 : i32
    %mul3A_39 = arith.muli %add3A_37, %mul3A_38 : i32
    %dma_start3A = arith.constant 0 : i32
    %dma_start3A_40 = tpu.memref_slice %arg6[%dma_start3A] : memref<32768xf32, #tpu.memory_space<vmem>> -> memref<16384xf32, #tpu.memory_space<vmem>>
    %dma_start3A_41 = tpu.memref_slice %arg2[%mul3A_39] : memref<37748736xf32, #tpu.memory_space<hbm>> -> memref<16384xf32, #tpu.memory_space<hbm>>
    %dma_start3A_42 = arith.constant 0 : i32
    %dma_start3A_43 = tpu.memref_slice %arg6[%dma_start3A_42] : memref<32768xf32, #tpu.memory_space<vmem>> -> memref<16384xf32, #tpu.memory_space<vmem>>
    %dma_start3A_44 = tpu.memref_slice %arg2[%mul3A_39] : memref<37748736xf32, #tpu.memory_space<hbm>> -> memref<16384xf32, #tpu.memory_space<hbm>>
    tpu.enqueue_dma source(%dma_start3A_44 : memref<16384xf32, #tpu.memory_space<hbm>>) target(%dma_start3A_43 : memref<16384xf32, #tpu.memory_space<vmem>>) target_semaphore(%arg9 : memref<!tpu.dma_semaphore, #tpu.memory_space<semaphore_mem>>)
    %add3A_45 = arith.constant 96 : i32
    %add3A_46 = arith.addi %add3A_35, %add3A_45 : i32
    %mul3A_47 = arith.constant 16384 : i32
    %mul3A_48 = arith.muli %add3A_46, %mul3A_47 : i32
    %dma_start3A_49 = arith.constant 16384 : i32
    %dma_start3A_50 = tpu.memref_slice %arg6[%dma_start3A_49] : memref<32768xf32, #tpu.memory_space<vmem>> -> memref<16384xf32, #tpu.memory_space<vmem>>
    %dma_start3A_51 = tpu.memref_slice %arg2[%mul3A_48] : memref<37748736xf32, #tpu.memory_space<hbm>> -> memref<16384xf32, #tpu.memory_space<hbm>>
    %dma_start3A_52 = arith.constant 16384 : i32
    %dma_start3A_53 = tpu.memref_slice %arg6[%dma_start3A_52] : memref<32768xf32, #tpu.memory_space<vmem>> -> memref<16384xf32, #tpu.memory_space<vmem>>
    %dma_start3A_54 = tpu.memref_slice %arg2[%mul3A_48] : memref<37748736xf32, #tpu.memory_space<hbm>> -> memref<16384xf32, #tpu.memory_space<hbm>>
    tpu.enqueue_dma source(%dma_start3A_54 : memref<16384xf32, #tpu.memory_space<hbm>>) target(%dma_start3A_53 : memref<16384xf32, #tpu.memory_space<vmem>>) target_semaphore(%arg9 : memref<!tpu.dma_semaphore, #tpu.memory_space<semaphore_mem>>)
    %scan3A = arith.constant 0 : i32
    %scan3A_55 = arith.constant 18 : i32
    %scan3A_56 = arith.addi %scan3A, %scan3A_55 : i32
    %scan3A_57 = arith.constant 1 : i32
    scf.for %scan3A_90 = %scan3A to %scan3A_56 step %scan3A_57  : i32 {
      %mul3A_91 = arith.constant 2 : i32
      %mul3A_92 = arith.muli %scan3A_90, %mul3A_91 : i32
      %add3A_93 = arith.constant 0 : i32
      %add3A_94 = arith.addi %add3A_93, %mul3A_92 : i32
      %add3A_95 = arith.constant 0 : i32
      %add3A_96 = arith.addi %add3A_94, %add3A_95 : i32
      %mul3A_97 = arith.constant 36 : i32
      %mul3A_98 = arith.muli %add3A, %mul3A_97 : i32
      %add3A_99 = arith.addi %mul3A_98, %add3A_96 : i32
      %jit3A_100 = arith.constant 96 : i32
      %div3A_101 = arith.divsi %add3A_99, %jit3A_100 : i32
      %sign3A_102 = arith.constant 0 : i32
      %sign3A_103 = arith.cmpi sgt, %add3A_99, %sign3A_102 : i32
      %sign3A_104 = arith.extui %sign3A_103 : i1 to i32
      %sign3A_105 = arith.constant 0 : i32
      %sign3A_106 = arith.cmpi slt, %add3A_99, %sign3A_105 : i32
      %sign3A_107 = arith.extui %sign3A_106 : i1 to i32
      %sign3A_108 = arith.subi %sign3A_104, %sign3A_107 : i32
      %sign3A_109 = arith.constant 0 : i32
      %sign3A_110 = arith.cmpi sgt, %jit3A_100, %sign3A_109 : i32
      %sign3A_111 = arith.extui %sign3A_110 : i1 to i32
      %sign3A_112 = arith.constant 0 : i32
      %sign3A_113 = arith.cmpi slt, %jit3A_100, %sign3A_112 : i32
      %sign3A_114 = arith.extui %sign3A_113 : i1 to i32
      %sign3A_115 = arith.subi %sign3A_111, %sign3A_114 : i32
      %ne3A_116 = arith.cmpi ne, %sign3A_108, %sign3A_115 : i32
      %rem3A_117 = arith.remsi %add3A_99, %jit3A_100 : i32
      %ne3A_118 = arith.constant 0 : i32
      %ne3A_119 = arith.cmpi ne, %rem3A_117, %ne3A_118 : i32
      %and3A_120 = arith.andi %ne3A_116, %ne3A_119 : i1
      %sub3A_121 = arith.constant 1 : i32
      %sub3A_122 = arith.subi %div3A_101, %sub3A_121 : i32
      %select_n3A_123 = arith.select %and3A_120, %sub3A_122, %div3A_101 : i32
      %jit3A_124 = arith.constant 96 : i32
      %eq3A_125 = arith.constant 0 : i32
      %eq3A_126 = arith.cmpi eq, %jit3A_124, %eq3A_125 : i32
      %jit3A_127 = arith.constant 1 : i32
      %select_n3A_128 = arith.select %eq3A_126, %jit3A_127, %jit3A_124 : i32
      %rem3A_129 = arith.remsi %add3A_99, %select_n3A_128 : i32
      %ne3A_130 = arith.constant 0 : i32
      %ne3A_131 = arith.cmpi ne, %rem3A_129, %ne3A_130 : i32
      %lt3A_132 = arith.constant 0 : i32
      %lt3A_133 = arith.cmpi slt, %rem3A_129, %lt3A_132 : i32
      %lt3A_134 = arith.constant 0 : i32
      %lt3A_135 = arith.cmpi slt, %select_n3A_128, %lt3A_134 : i32
      %ne3A_136 = arith.xori %lt3A_133, %lt3A_135 : i1
      %and3A_137 = arith.andi %ne3A_136, %ne3A_131 : i1
      %add3A_138 = arith.addi %rem3A_129, %select_n3A_128 : i32
      %select_n3A_139 = arith.select %and3A_137, %add3A_138, %rem3A_129 : i32
      %jit3A_140 = arith.constant 12 : i32
      %div3A_141 = arith.divsi %select_n3A_139, %jit3A_140 : i32
      %sign3A_142 = arith.constant 0 : i32
      %sign3A_143 = arith.cmpi sgt, %select_n3A_139, %sign3A_142 : i32
      %sign3A_144 = arith.extui %sign3A_143 : i1 to i32
      %sign3A_145 = arith.constant 0 : i32
      %sign3A_146 = arith.cmpi slt, %select_n3A_139, %sign3A_145 : i32
      %sign3A_147 = arith.extui %sign3A_146 : i1 to i32
      %sign3A_148 = arith.subi %sign3A_144, %sign3A_147 : i32
      %sign3A_149 = arith.constant 0 : i32
      %sign3A_150 = arith.cmpi sgt, %jit3A_140, %sign3A_149 : i32
      %sign3A_151 = arith.extui %sign3A_150 : i1 to i32
      %sign3A_152 = arith.constant 0 : i32
      %sign3A_153 = arith.cmpi slt, %jit3A_140, %sign3A_152 : i32
      %sign3A_154 = arith.extui %sign3A_153 : i1 to i32
      %sign3A_155 = arith.subi %sign3A_151, %sign3A_154 : i32
      %ne3A_156 = arith.cmpi ne, %sign3A_148, %sign3A_155 : i32
      %rem3A_157 = arith.remsi %select_n3A_139, %jit3A_140 : i32
      %ne3A_158 = arith.constant 0 : i32
      %ne3A_159 = arith.cmpi ne, %rem3A_157, %ne3A_158 : i32
      %and3A_160 = arith.andi %ne3A_156, %ne3A_159 : i1
      %sub3A_161 = arith.constant 1 : i32
      %sub3A_162 = arith.subi %div3A_141, %sub3A_161 : i32
      %select_n3A_163 = arith.select %and3A_160, %sub3A_162, %div3A_141 : i32
      %jit3A_164 = arith.constant 12 : i32
      %eq3A_165 = arith.constant 0 : i32
      %eq3A_166 = arith.cmpi eq, %jit3A_164, %eq3A_165 : i32
      %jit3A_167 = arith.constant 1 : i32
      %select_n3A_168 = arith.select %eq3A_166, %jit3A_167, %jit3A_164 : i32
      %rem3A_169 = arith.remsi %select_n3A_139, %select_n3A_168 : i32
      %ne3A_170 = arith.constant 0 : i32
      %ne3A_171 = arith.cmpi ne, %rem3A_169, %ne3A_170 : i32
      %lt3A_172 = arith.constant 0 : i32
      %lt3A_173 = arith.cmpi slt, %rem3A_169, %lt3A_172 : i32
      %lt3A_174 = arith.constant 0 : i32
      %lt3A_175 = arith.cmpi slt, %select_n3A_168, %lt3A_174 : i32
      %ne3A_176 = arith.xori %lt3A_173, %lt3A_175 : i1
      %and3A_177 = arith.andi %ne3A_176, %ne3A_171 : i1
      %add3A_178 = arith.addi %rem3A_169, %select_n3A_168 : i32
      %select_n3A_179 = arith.select %and3A_177, %add3A_178, %rem3A_169 : i32
      %add3A_180 = arith.constant 1 : i32
      %add3A_181 = arith.addi %add3A_96, %add3A_180 : i32
      %lt3A_182 = arith.constant 36 : i32
      %lt3A_183 = arith.cmpi slt, %add3A_181, %lt3A_182 : i32
      %convert_element_type3A = arith.extui %lt3A_183 : i1 to i32
      %cond3A = arith.constant 0 : i32
      %cond3A_184 = arith.cmpi ne, %convert_element_type3A, %cond3A : i32
      scf.if %cond3A_184 {
        %add3A_330 = arith.constant 1 : i32
        %add3A_331 = arith.addi %add3A_99, %add3A_330 : i32
        %jit3A_332 = arith.constant 96 : i32
        %div3A_333 = arith.divsi %add3A_331, %jit3A_332 : i32
        %sign3A_334 = arith.constant 0 : i32
        %sign3A_335 = arith.cmpi sgt, %add3A_331, %sign3A_334 : i32
        %sign3A_336 = arith.extui %sign3A_335 : i1 to i32
        %sign3A_337 = arith.constant 0 : i32
        %sign3A_338 = arith.cmpi slt, %add3A_331, %sign3A_337 : i32
        %sign3A_339 = arith.extui %sign3A_338 : i1 to i32
        %sign3A_340 = arith.subi %sign3A_336, %sign3A_339 : i32
        %sign3A_341 = arith.constant 0 : i32
        %sign3A_342 = arith.cmpi sgt, %jit3A_332, %sign3A_341 : i32
        %sign3A_343 = arith.extui %sign3A_342 : i1 to i32
        %sign3A_344 = arith.constant 0 : i32
        %sign3A_345 = arith.cmpi slt, %jit3A_332, %sign3A_344 : i32
        %sign3A_346 = arith.extui %sign3A_345 : i1 to i32
        %sign3A_347 = arith.subi %sign3A_343, %sign3A_346 : i32
        %ne3A_348 = arith.cmpi ne, %sign3A_340, %sign3A_347 : i32
        %rem3A_349 = arith.remsi %add3A_331, %jit3A_332 : i32
        %ne3A_350 = arith.constant 0 : i32
        %ne3A_351 = arith.cmpi ne, %rem3A_349, %ne3A_350 : i32
        %and3A_352 = arith.andi %ne3A_348, %ne3A_351 : i1
        %sub3A_353 = arith.constant 1 : i32
        %sub3A_354 = arith.subi %div3A_333, %sub3A_353 : i32
        %select_n3A_355 = arith.select %and3A_352, %sub3A_354, %div3A_333 : i32
        %jit3A_356 = arith.constant 96 : i32
        %eq3A_357 = arith.constant 0 : i32
        %eq3A_358 = arith.cmpi eq, %jit3A_356, %eq3A_357 : i32
        %jit3A_359 = arith.constant 1 : i32
        %select_n3A_360 = arith.select %eq3A_358, %jit3A_359, %jit3A_356 : i32
        %rem3A_361 = arith.remsi %add3A_331, %select_n3A_360 : i32
        %ne3A_362 = arith.constant 0 : i32
        %ne3A_363 = arith.cmpi ne, %rem3A_361, %ne3A_362 : i32
        %lt3A_364 = arith.constant 0 : i32
        %lt3A_365 = arith.cmpi slt, %rem3A_361, %lt3A_364 : i32
        %lt3A_366 = arith.constant 0 : i32
        %lt3A_367 = arith.cmpi slt, %select_n3A_360, %lt3A_366 : i32
        %ne3A_368 = arith.xori %lt3A_365, %lt3A_367 : i1
        %and3A_369 = arith.andi %ne3A_368, %ne3A_363 : i1
        %add3A_370 = arith.addi %rem3A_361, %select_n3A_360 : i32
        %select_n3A_371 = arith.select %and3A_369, %add3A_370, %rem3A_361 : i32
        %mul3A_372 = arith.constant 192 : i32
        %mul3A_373 = arith.muli %select_n3A_355, %mul3A_372 : i32
        %add3A_374 = arith.addi %mul3A_373, %select_n3A_371 : i32
        %add3A_375 = arith.constant 0 : i32
        %add3A_376 = arith.addi %add3A_374, %add3A_375 : i32
        %mul3A_377 = arith.constant 16384 : i32
        %mul3A_378 = arith.muli %add3A_376, %mul3A_377 : i32
        %dma_start3A_379 = arith.constant 0 : i32
        %dma_start3A_380 = tpu.memref_slice %arg7[%dma_start3A_379] : memref<32768xf32, #tpu.memory_space<vmem>> -> memref<16384xf32, #tpu.memory_space<vmem>>
        %dma_start3A_381 = tpu.memref_slice %arg2[%mul3A_378] : memref<37748736xf32, #tpu.memory_space<hbm>> -> memref<16384xf32, #tpu.memory_space<hbm>>
        %dma_start3A_382 = arith.constant 0 : i32
        %dma_start3A_383 = tpu.memref_slice %arg7[%dma_start3A_382] : memref<32768xf32, #tpu.memory_space<vmem>> -> memref<16384xf32, #tpu.memory_space<vmem>>
        %dma_start3A_384 = tpu.memref_slice %arg2[%mul3A_378] : memref<37748736xf32, #tpu.memory_space<hbm>> -> memref<16384xf32, #tpu.memory_space<hbm>>
        tpu.enqueue_dma source(%dma_start3A_384 : memref<16384xf32, #tpu.memory_space<hbm>>) target(%dma_start3A_383 : memref<16384xf32, #tpu.memory_space<vmem>>) target_semaphore(%arg10 : memref<!tpu.dma_semaphore, #tpu.memory_space<semaphore_mem>>)
        %add3A_385 = arith.constant 96 : i32
        %add3A_386 = arith.addi %add3A_374, %add3A_385 : i32
        %mul3A_387 = arith.constant 16384 : i32
        %mul3A_388 = arith.muli %add3A_386, %mul3A_387 : i32
        %dma_start3A_389 = arith.constant 16384 : i32
        %dma_start3A_390 = tpu.memref_slice %arg7[%dma_start3A_389] : memref<32768xf32, #tpu.memory_space<vmem>> -> memref<16384xf32, #tpu.memory_space<vmem>>
        %dma_start3A_391 = tpu.memref_slice %arg2[%mul3A_388] : memref<37748736xf32, #tpu.memory_space<hbm>> -> memref<16384xf32, #tpu.memory_space<hbm>>
        %dma_start3A_392 = arith.constant 16384 : i32
        %dma_start3A_393 = tpu.memref_slice %arg7[%dma_start3A_392] : memref<32768xf32, #tpu.memory_space<vmem>> -> memref<16384xf32, #tpu.memory_space<vmem>>
        %dma_start3A_394 = tpu.memref_slice %arg2[%mul3A_388] : memref<37748736xf32, #tpu.memory_space<hbm>> -> memref<16384xf32, #tpu.memory_space<hbm>>
        tpu.enqueue_dma source(%dma_start3A_394 : memref<16384xf32, #tpu.memory_space<hbm>>) target(%dma_start3A_393 : memref<16384xf32, #tpu.memory_space<vmem>>) target_semaphore(%arg10 : memref<!tpu.dma_semaphore, #tpu.memory_space<semaphore_mem>>)
      } else {
      }
      %gt3A = arith.constant 0 : i32
      %gt3A_185 = arith.cmpi sgt, %add3A_96, %gt3A : i32
      %convert_element_type3A_186 = arith.extui %gt3A_185 : i1 to i32
      %cond3A_187 = arith.constant 0 : i32
      %cond3A_188 = arith.cmpi ne, %convert_element_type3A_186, %cond3A_187 : i32
      scf.if %cond3A_188 {
        %dma_wait3A_330 = arith.constant 0 : i32
        %dma_wait3A_331 = tpu.memref_slice %arg8[%dma_wait3A_330] : memref<32768xf32, #tpu.memory_space<vmem>> -> memref<8192xf32, #tpu.memory_space<vmem>>
        %dma_wait3A_332 = arith.constant 0 : i32
        %dma_wait3A_333 = tpu.memref_slice %arg4[%dma_wait3A_332] : memref<37748736xf32, #tpu.memory_space<hbm>> -> memref<8192xf32, #tpu.memory_space<hbm>>
        %dma_wait3A_334 = arith.constant 0 : i32
        %dma_wait3A_335 = tpu.memref_slice %arg4[%dma_wait3A_334] : memref<37748736xf32, #tpu.memory_space<hbm>> -> memref<8192xf32, #tpu.memory_space<hbm>>
        %dma_wait3A_336 = arith.constant 0 : i32
        %dma_wait3A_337 = tpu.memref_slice %arg8[%dma_wait3A_336] : memref<32768xf32, #tpu.memory_space<vmem>> -> memref<8192xf32, #tpu.memory_space<vmem>>
        tpu.wait_dma2 semaphore(%arg11 : memref<!tpu.dma_semaphore, #tpu.memory_space<semaphore_mem>>) src(%dma_wait3A_337 : memref<8192xf32, #tpu.memory_space<vmem>>) dst(%dma_wait3A_335 : memref<8192xf32, #tpu.memory_space<hbm>>)
        %dma_wait3A_338 = arith.constant 8192 : i32
        %dma_wait3A_339 = tpu.memref_slice %arg8[%dma_wait3A_338] : memref<32768xf32, #tpu.memory_space<vmem>> -> memref<8192xf32, #tpu.memory_space<vmem>>
        %dma_wait3A_340 = arith.constant 0 : i32
        %dma_wait3A_341 = tpu.memref_slice %arg4[%dma_wait3A_340] : memref<37748736xf32, #tpu.memory_space<hbm>> -> memref<8192xf32, #tpu.memory_space<hbm>>
        %dma_wait3A_342 = arith.constant 0 : i32
        %dma_wait3A_343 = tpu.memref_slice %arg4[%dma_wait3A_342] : memref<37748736xf32, #tpu.memory_space<hbm>> -> memref<8192xf32, #tpu.memory_space<hbm>>
        %dma_wait3A_344 = arith.constant 8192 : i32
        %dma_wait3A_345 = tpu.memref_slice %arg8[%dma_wait3A_344] : memref<32768xf32, #tpu.memory_space<vmem>> -> memref<8192xf32, #tpu.memory_space<vmem>>
        tpu.wait_dma2 semaphore(%arg11 : memref<!tpu.dma_semaphore, #tpu.memory_space<semaphore_mem>>) src(%dma_wait3A_345 : memref<8192xf32, #tpu.memory_space<vmem>>) dst(%dma_wait3A_343 : memref<8192xf32, #tpu.memory_space<hbm>>)
        %dma_wait3A_346 = arith.constant 16384 : i32
        %dma_wait3A_347 = tpu.memref_slice %arg8[%dma_wait3A_346] : memref<32768xf32, #tpu.memory_space<vmem>> -> memref<8192xf32, #tpu.memory_space<vmem>>
        %dma_wait3A_348 = arith.constant 0 : i32
        %dma_wait3A_349 = tpu.memref_slice %arg4[%dma_wait3A_348] : memref<37748736xf32, #tpu.memory_space<hbm>> -> memref<8192xf32, #tpu.memory_space<hbm>>
        %dma_wait3A_350 = arith.constant 0 : i32
        %dma_wait3A_351 = tpu.memref_slice %arg4[%dma_wait3A_350] : memref<37748736xf32, #tpu.memory_space<hbm>> -> memref<8192xf32, #tpu.memory_space<hbm>>
        %dma_wait3A_352 = arith.constant 16384 : i32
        %dma_wait3A_353 = tpu.memref_slice %arg8[%dma_wait3A_352] : memref<32768xf32, #tpu.memory_space<vmem>> -> memref<8192xf32, #tpu.memory_space<vmem>>
        tpu.wait_dma2 semaphore(%arg11 : memref<!tpu.dma_semaphore, #tpu.memory_space<semaphore_mem>>) src(%dma_wait3A_353 : memref<8192xf32, #tpu.memory_space<vmem>>) dst(%dma_wait3A_351 : memref<8192xf32, #tpu.memory_space<hbm>>)
        %dma_wait3A_354 = arith.constant 24576 : i32
        %dma_wait3A_355 = tpu.memref_slice %arg8[%dma_wait3A_354] : memref<32768xf32, #tpu.memory_space<vmem>> -> memref<8192xf32, #tpu.memory_space<vmem>>
        %dma_wait3A_356 = arith.constant 0 : i32
        %dma_wait3A_357 = tpu.memref_slice %arg4[%dma_wait3A_356] : memref<37748736xf32, #tpu.memory_space<hbm>> -> memref<8192xf32, #tpu.memory_space<hbm>>
        %dma_wait3A_358 = arith.constant 0 : i32
        %dma_wait3A_359 = tpu.memref_slice %arg4[%dma_wait3A_358] : memref<37748736xf32, #tpu.memory_space<hbm>> -> memref<8192xf32, #tpu.memory_space<hbm>>
        %dma_wait3A_360 = arith.constant 24576 : i32
        %dma_wait3A_361 = tpu.memref_slice %arg8[%dma_wait3A_360] : memref<32768xf32, #tpu.memory_space<vmem>> -> memref<8192xf32, #tpu.memory_space<vmem>>
        tpu.wait_dma2 semaphore(%arg11 : memref<!tpu.dma_semaphore, #tpu.memory_space<semaphore_mem>>) src(%dma_wait3A_361 : memref<8192xf32, #tpu.memory_space<vmem>>) dst(%dma_wait3A_359 : memref<8192xf32, #tpu.memory_space<hbm>>)
      } else {
      }
      %dma_wait3A_189 = arith.constant 0 : i32
      %dma_wait3A_190 = tpu.memref_slice %arg6[%dma_wait3A_189] : memref<32768xf32, #tpu.memory_space<vmem>> -> memref<16384xf32, #tpu.memory_space<vmem>>
      %dma_wait3A_191 = arith.constant 0 : i32
      %dma_wait3A_192 = tpu.memref_slice %arg2[%dma_wait3A_191] : memref<37748736xf32, #tpu.memory_space<hbm>> -> memref<16384xf32, #tpu.memory_space<hbm>>
      %dma_wait3A_193 = arith.constant 0 : i32
      %dma_wait3A_194 = tpu.memref_slice %arg6[%dma_wait3A_193] : memref<32768xf32, #tpu.memory_space<vmem>> -> memref<16384xf32, #tpu.memory_space<vmem>>
      %dma_wait3A_195 = arith.constant 0 : i32
      %dma_wait3A_196 = tpu.memref_slice %arg2[%dma_wait3A_195] : memref<37748736xf32, #tpu.memory_space<hbm>> -> memref<16384xf32, #tpu.memory_space<hbm>>
      tpu.wait_dma2 semaphore(%arg9 : memref<!tpu.dma_semaphore, #tpu.memory_space<semaphore_mem>>) src(%dma_wait3A_196 : memref<16384xf32, #tpu.memory_space<hbm>>) dst(%dma_wait3A_194 : memref<16384xf32, #tpu.memory_space<vmem>>)
      %dma_wait3A_197 = arith.constant 16384 : i32
      %dma_wait3A_198 = tpu.memref_slice %arg6[%dma_wait3A_197] : memref<32768xf32, #tpu.memory_space<vmem>> -> memref<16384xf32, #tpu.memory_space<vmem>>
      %dma_wait3A_199 = arith.constant 0 : i32
      %dma_wait3A_200 = tpu.memref_slice %arg2[%dma_wait3A_199] : memref<37748736xf32, #tpu.memory_space<hbm>> -> memref<16384xf32, #tpu.memory_space<hbm>>
      %dma_wait3A_201 = arith.constant 16384 : i32
      %dma_wait3A_202 = tpu.memref_slice %arg6[%dma_wait3A_201] : memref<32768xf32, #tpu.memory_space<vmem>> -> memref<16384xf32, #tpu.memory_space<vmem>>
      %dma_wait3A_203 = arith.constant 0 : i32
      %dma_wait3A_204 = tpu.memref_slice %arg2[%dma_wait3A_203] : memref<37748736xf32, #tpu.memory_space<hbm>> -> memref<16384xf32, #tpu.memory_space<hbm>>
      tpu.wait_dma2 semaphore(%arg9 : memref<!tpu.dma_semaphore, #tpu.memory_space<semaphore_mem>>) src(%dma_wait3A_204 : memref<16384xf32, #tpu.memory_space<hbm>>) dst(%dma_wait3A_202 : memref<16384xf32, #tpu.memory_space<vmem>>)
      %scan3A_205 = arith.constant 0 : i32
      %scan3A_206 = arith.constant 0 : i32
      %scan3A_207 = arith.constant 4 : i32
      %scan3A_208 = arith.addi %scan3A_206, %scan3A_207 : i32
      %scan3A_209 = arith.constant 1 : i32
      scf.for %scan3A_330 = %scan3A_206 to %scan3A_208 step %scan3A_209  : i32 {
        %jit3A_331 = arith.constant 2 : i32
        %div3A_332 = arith.divsi %scan3A_330, %jit3A_331 : i32
        %sign3A_333 = arith.constant 0 : i32
        %sign3A_334 = arith.cmpi sgt, %scan3A_330, %sign3A_333 : i32
        %sign3A_335 = arith.extui %sign3A_334 : i1 to i32
        %sign3A_336 = arith.constant 0 : i32
        %sign3A_337 = arith.cmpi slt, %scan3A_330, %sign3A_336 : i32
        %sign3A_338 = arith.extui %sign3A_337 : i1 to i32
        %sign3A_339 = arith.subi %sign3A_335, %sign3A_338 : i32
        %sign3A_340 = arith.constant 0 : i32
        %sign3A_341 = arith.cmpi sgt, %jit3A_331, %sign3A_340 : i32
        %sign3A_342 = arith.extui %sign3A_341 : i1 to i32
        %sign3A_343 = arith.constant 0 : i32
        %sign3A_344 = arith.cmpi slt, %jit3A_331, %sign3A_343 : i32
        %sign3A_345 = arith.extui %sign3A_344 : i1 to i32
        %sign3A_346 = arith.subi %sign3A_342, %sign3A_345 : i32
        %ne3A_347 = arith.cmpi ne, %sign3A_339, %sign3A_346 : i32
        %rem3A_348 = arith.remsi %scan3A_330, %jit3A_331 : i32
        %ne3A_349 = arith.constant 0 : i32
        %ne3A_350 = arith.cmpi ne, %rem3A_348, %ne3A_349 : i32
        %and3A_351 = arith.andi %ne3A_347, %ne3A_350 : i1
        %sub3A_352 = arith.constant 1 : i32
        %sub3A_353 = arith.subi %div3A_332, %sub3A_352 : i32
        %select_n3A_354 = arith.select %and3A_351, %sub3A_353, %div3A_332 : i32
        %jit3A_355 = arith.constant 2 : i32
        %eq3A_356 = arith.constant 0 : i32
        %eq3A_357 = arith.cmpi eq, %jit3A_355, %eq3A_356 : i32
        %jit3A_358 = arith.constant 1 : i32
        %select_n3A_359 = arith.select %eq3A_357, %jit3A_358, %jit3A_355 : i32
        %rem3A_360 = arith.remsi %scan3A_330, %select_n3A_359 : i32
        %ne3A_361 = arith.constant 0 : i32
        %ne3A_362 = arith.cmpi ne, %rem3A_360, %ne3A_361 : i32
        %lt3A_363 = arith.constant 0 : i32
        %lt3A_364 = arith.cmpi slt, %rem3A_360, %lt3A_363 : i32
        %lt3A_365 = arith.constant 0 : i32
        %lt3A_366 = arith.cmpi slt, %select_n3A_359, %lt3A_365 : i32
        %ne3A_367 = arith.xori %lt3A_364, %lt3A_366 : i1
        %and3A_368 = arith.andi %ne3A_367, %ne3A_362 : i1
        %add3A_369 = arith.addi %rem3A_360, %select_n3A_359 : i32
        %select_n3A_370 = arith.select %and3A_368, %add3A_369, %rem3A_360 : i32
        %parallel_loop3A = arith.constant 0 : i32
        %parallel_loop3A_371 = arith.constant 512 : i32
        %parallel_loop3A_372 = arith.constant 1 : i32
        scf.for %parallel_loop3A_393 = %parallel_loop3A to %parallel_loop3A_371 step %parallel_loop3A_372  : i32 {
          %parallel_loop3A_394 = arith.constant 8 : i32
          %parallel_loop3A_395 = arith.divsi %parallel_loop3A_393, %parallel_loop3A_394 : i32
          %parallel_loop3A_396 = arith.constant 0 : i32
          %parallel_loop3A_397 = arith.cmpi sgt, %parallel_loop3A_393, %parallel_loop3A_396 : i32
          %parallel_loop3A_398 = arith.extui %parallel_loop3A_397 : i1 to i32
          %parallel_loop3A_399 = arith.constant 0 : i32
          %parallel_loop3A_400 = arith.cmpi slt, %parallel_loop3A_393, %parallel_loop3A_399 : i32
          %parallel_loop3A_401 = arith.extui %parallel_loop3A_400 : i1 to i32
          %parallel_loop3A_402 = arith.subi %parallel_loop3A_398, %parallel_loop3A_401 : i32
          %parallel_loop3A_403 = arith.constant 0 : i32
          %parallel_loop3A_404 = arith.cmpi sgt, %parallel_loop3A_394, %parallel_loop3A_403 : i32
          %parallel_loop3A_405 = arith.extui %parallel_loop3A_404 : i1 to i32
          %parallel_loop3A_406 = arith.constant 0 : i32
          %parallel_loop3A_407 = arith.cmpi slt, %parallel_loop3A_394, %parallel_loop3A_406 : i32
          %parallel_loop3A_408 = arith.extui %parallel_loop3A_407 : i1 to i32
          %parallel_loop3A_409 = arith.subi %parallel_loop3A_405, %parallel_loop3A_408 : i32
          %parallel_loop3A_410 = arith.cmpi ne, %parallel_loop3A_402, %parallel_loop3A_409 : i32
          %parallel_loop3A_411 = arith.remsi %parallel_loop3A_393, %parallel_loop3A_394 : i32
          %parallel_loop3A_412 = arith.constant 0 : i32
          %parallel_loop3A_413 = arith.cmpi ne, %parallel_loop3A_411, %parallel_loop3A_412 : i32
          %parallel_loop3A_414 = arith.andi %parallel_loop3A_410, %parallel_loop3A_413 : i1
          %parallel_loop3A_415 = arith.constant 1 : i32
          %parallel_loop3A_416 = arith.subi %parallel_loop3A_395, %parallel_loop3A_415 : i32
          %parallel_loop3A_417 = arith.select %parallel_loop3A_414, %parallel_loop3A_416, %parallel_loop3A_395 : i32
          %parallel_loop3A_418 = arith.constant 8 : i32
          %parallel_loop3A_419 = arith.constant 0 : i32
          %parallel_loop3A_420 = arith.cmpi eq, %parallel_loop3A_418, %parallel_loop3A_419 : i32
          %parallel_loop3A_421 = arith.constant 1 : i32
          %parallel_loop3A_422 = arith.select %parallel_loop3A_420, %parallel_loop3A_421, %parallel_loop3A_418 : i32
          %parallel_loop3A_423 = arith.remsi %parallel_loop3A_393, %parallel_loop3A_422 : i32
          %parallel_loop3A_424 = arith.constant 0 : i32
          %parallel_loop3A_425 = arith.cmpi ne, %parallel_loop3A_423, %parallel_loop3A_424 : i32
          %parallel_loop3A_426 = arith.constant 0 : i32
          %parallel_loop3A_427 = arith.cmpi slt, %parallel_loop3A_423, %parallel_loop3A_426 : i32
          %parallel_loop3A_428 = arith.constant 0 : i32
          %parallel_loop3A_429 = arith.cmpi slt, %parallel_loop3A_422, %parallel_loop3A_428 : i32
          %parallel_loop3A_430 = arith.xori %parallel_loop3A_427, %parallel_loop3A_429 : i1
          %parallel_loop3A_431 = arith.andi %parallel_loop3A_430, %parallel_loop3A_425 : i1
          %parallel_loop3A_432 = arith.addi %parallel_loop3A_423, %parallel_loop3A_422 : i32
          %parallel_loop3A_433 = arith.select %parallel_loop3A_431, %parallel_loop3A_432, %parallel_loop3A_423 : i32
          %parallel_loop3A_434 = arith.constant 8 : i32
          %parallel_loop3A_435 = arith.divsi %parallel_loop3A_417, %parallel_loop3A_434 : i32
          %parallel_loop3A_436 = arith.constant 0 : i32
          %parallel_loop3A_437 = arith.cmpi sgt, %parallel_loop3A_417, %parallel_loop3A_436 : i32
          %parallel_loop3A_438 = arith.extui %parallel_loop3A_437 : i1 to i32
          %parallel_loop3A_439 = arith.constant 0 : i32
          %parallel_loop3A_440 = arith.cmpi slt, %parallel_loop3A_417, %parallel_loop3A_439 : i32
          %parallel_loop3A_441 = arith.extui %parallel_loop3A_440 : i1 to i32
          %parallel_loop3A_442 = arith.subi %parallel_loop3A_438, %parallel_loop3A_441 : i32
          %parallel_loop3A_443 = arith.constant 0 : i32
          %parallel_loop3A_444 = arith.cmpi sgt, %parallel_loop3A_434, %parallel_loop3A_443 : i32
          %parallel_loop3A_445 = arith.extui %parallel_loop3A_444 : i1 to i32
          %parallel_loop3A_446 = arith.constant 0 : i32
          %parallel_loop3A_447 = arith.cmpi slt, %parallel_loop3A_434, %parallel_loop3A_446 : i32
          %parallel_loop3A_448 = arith.extui %parallel_loop3A_447 : i1 to i32
          %parallel_loop3A_449 = arith.subi %parallel_loop3A_445, %parallel_loop3A_448 : i32
          %parallel_loop3A_450 = arith.cmpi ne, %parallel_loop3A_442, %parallel_loop3A_449 : i32
          %parallel_loop3A_451 = arith.remsi %parallel_loop3A_417, %parallel_loop3A_434 : i32
          %parallel_loop3A_452 = arith.constant 0 : i32
          %parallel_loop3A_453 = arith.cmpi ne, %parallel_loop3A_451, %parallel_loop3A_452 : i32
          %parallel_loop3A_454 = arith.andi %parallel_loop3A_450, %parallel_loop3A_453 : i1
          %parallel_loop3A_455 = arith.constant 1 : i32
          %parallel_loop3A_456 = arith.subi %parallel_loop3A_435, %parallel_loop3A_455 : i32
          %parallel_loop3A_457 = arith.select %parallel_loop3A_454, %parallel_loop3A_456, %parallel_loop3A_435 : i32
          %parallel_loop3A_458 = arith.constant 2048 : i32
          %parallel_loop3A_459 = arith.muli %parallel_loop3A_457, %parallel_loop3A_458 : i32
          %parallel_loop3A_460 = arith.constant 8 : i32
          %parallel_loop3A_461 = arith.constant 0 : i32
          %parallel_loop3A_462 = arith.cmpi eq, %parallel_loop3A_460, %parallel_loop3A_461 : i32
          %parallel_loop3A_463 = arith.constant 1 : i32
          %parallel_loop3A_464 = arith.select %parallel_loop3A_462, %parallel_loop3A_463, %parallel_loop3A_460 : i32
          %parallel_loop3A_465 = arith.remsi %parallel_loop3A_417, %parallel_loop3A_464 : i32
          %parallel_loop3A_466 = arith.constant 0 : i32
          %parallel_loop3A_467 = arith.cmpi ne, %parallel_loop3A_465, %parallel_loop3A_466 : i32
          %parallel_loop3A_468 = arith.constant 0 : i32
          %parallel_loop3A_469 = arith.cmpi slt, %parallel_loop3A_465, %parallel_loop3A_468 : i32
          %parallel_loop3A_470 = arith.constant 0 : i32
          %parallel_loop3A_471 = arith.cmpi slt, %parallel_loop3A_464, %parallel_loop3A_470 : i32
          %parallel_loop3A_472 = arith.xori %parallel_loop3A_469, %parallel_loop3A_471 : i1
          %parallel_loop3A_473 = arith.andi %parallel_loop3A_472, %parallel_loop3A_467 : i1
          %parallel_loop3A_474 = arith.addi %parallel_loop3A_465, %parallel_loop3A_464 : i32
          %parallel_loop3A_475 = arith.select %parallel_loop3A_473, %parallel_loop3A_474, %parallel_loop3A_465 : i32
          %parallel_loop3A_476 = arith.constant 128 : i32
          %parallel_loop3A_477 = arith.muli %parallel_loop3A_475, %parallel_loop3A_476 : i32
          %parallel_loop3A_478 = arith.addi %parallel_loop3A_459, %parallel_loop3A_477 : i32
          %parallel_loop3A_479 = arith.constant 128 : i32
          %parallel_loop3A_480 = arith.muli %scan3A_330, %parallel_loop3A_479 : i32
          %parallel_loop3A_481 = arith.constant 16 : i32
          %parallel_loop3A_482 = arith.muli %parallel_loop3A_433, %parallel_loop3A_481 : i32
          %parallel_loop3A_483 = arith.addi %parallel_loop3A_480, %parallel_loop3A_482 : i32
          %parallel_loop3A_484 = arith.index_cast %parallel_loop3A_483 : i32 to index
          %parallel_loop3A_485 = tpu.vector_load %arg5[%parallel_loop3A_484] {strides = array<i32>} : memref<512xi32, #tpu.memory_space<vmem>>, vector<16xi32>,
          %parallel_loop3A_486 = vector.broadcast %parallel_loop3A_478 : i32 to vector<16xi32>
          %parallel_loop3A_487 = arith.addi %parallel_loop3A_485, %parallel_loop3A_486 : vector<16xi32>
          %parallel_loop3A_488 = tpu.vector_load_idx %arg6[%parallel_loop3A_487] : memref<32768xf32, #tpu.memory_space<vmem>>[vector<16xi32>], vector<16xf32>,
          %parallel_loop3A_489 = arith.constant 8192 : i32
          %parallel_loop3A_490 = arith.muli %scan3A_330, %parallel_loop3A_489 : i32
          %parallel_loop3A_491 = arith.constant 128 : i32
          %parallel_loop3A_492 = arith.muli %parallel_loop3A_417, %parallel_loop3A_491 : i32
          %parallel_loop3A_493 = arith.addi %parallel_loop3A_490, %parallel_loop3A_492 : i32
          %parallel_loop3A_494 = arith.constant 16 : i32
          %parallel_loop3A_495 = arith.muli %parallel_loop3A_433, %parallel_loop3A_494 : i32
          %parallel_loop3A_496 = arith.addi %parallel_loop3A_493, %parallel_loop3A_495 : i32
          %parallel_loop3A_497 = arith.index_cast %parallel_loop3A_496 : i32 to index
          %parallel_loop3A_498 = tpu.vector_load %arg8[%parallel_loop3A_497] {strides = array<i32>} : memref<32768xf32, #tpu.memory_space<vmem>>, vector<16xf32>,
          tpu.vector_store %arg8[%parallel_loop3A_497], %parallel_loop3A_488 {strides = array<i32>} : memref<32768xf32, #tpu.memory_space<vmem>>, vector<16xf32>,
        } {sc.loop_unroll_factor = 64 : i64, sc.parallel_access}
        %mul3A_373 = arith.constant 2 : i32
        %mul3A_374 = arith.muli %select_n3A_123, %mul3A_373 : i32
        %add3A_375 = arith.addi %mul3A_374, %select_n3A_354 : i32
        %mul3A_376 = arith.constant 192 : i32
        %mul3A_377 = arith.muli %add3A_375, %mul3A_376 : i32
        %mul3A_378 = arith.constant 8 : i32
        %mul3A_379 = arith.muli %select_n3A_370, %mul3A_378 : i32
        %add3A_380 = arith.addi %mul3A_379, %select_n3A_163 : i32
        %mul3A_381 = arith.constant 12 : i32
        %mul3A_382 = arith.muli %add3A_380, %mul3A_381 : i32
        %add3A_383 = arith.addi %mul3A_377, %mul3A_382 : i32
        %add3A_384 = arith.addi %add3A_383, %select_n3A_179 : i32
        %mul3A_385 = arith.constant 8192 : i32
        %mul3A_386 = arith.muli %scan3A_330, %mul3A_385 : i32
        %mul3A_387 = arith.constant 8192 : i32
        %mul3A_388 = arith.muli %add3A_384, %mul3A_387 : i32
        %dma_start3A_389 = tpu.memref_slice %arg8[%mul3A_386] : memref<32768xf32, #tpu.memory_space<vmem>> -> memref<8192xf32, #tpu.memory_space<vmem>>
        %dma_start3A_390 = tpu.memref_slice %arg4[%mul3A_388] : memref<37748736xf32, #tpu.memory_space<hbm>> -> memref<8192xf32, #tpu.memory_space<hbm>>
        %dma_start3A_391 = tpu.memref_slice %arg4[%mul3A_388] : memref<37748736xf32, #tpu.memory_space<hbm>> -> memref<8192xf32, #tpu.memory_space<hbm>>
        %dma_start3A_392 = tpu.memref_slice %arg8[%mul3A_386] : memref<32768xf32, #tpu.memory_space<vmem>> -> memref<8192xf32, #tpu.memory_space<vmem>>
        tpu.enqueue_dma source(%dma_start3A_392 : memref<8192xf32, #tpu.memory_space<vmem>>) target(%dma_start3A_391 : memref<8192xf32, #tpu.memory_space<hbm>>) target_semaphore(%arg11 : memref<!tpu.dma_semaphore, #tpu.memory_space<semaphore_mem>>)
      }
      %scan3A_210 = arith.constant 4 : i32
      %add3A_211 = arith.constant 1 : i32
      %add3A_212 = arith.addi %add3A_94, %add3A_211 : i32
      %mul3A_213 = arith.constant 36 : i32
      %mul3A_214 = arith.muli %add3A, %mul3A_213 : i32
      %add3A_215 = arith.addi %mul3A_214, %add3A_212 : i32
      %jit3A_216 = arith.constant 96 : i32
      %div3A_217 = arith.divsi %add3A_215, %jit3A_216 : i32
      %sign3A_218 = arith.constant 0 : i32
      %sign3A_219 = arith.cmpi sgt, %add3A_215, %sign3A_218 : i32
      %sign3A_220 = arith.extui %sign3A_219 : i1 to i32
      %sign3A_221 = arith.constant 0 : i32
      %sign3A_222 = arith.cmpi slt, %add3A_215, %sign3A_221 : i32
      %sign3A_223 = arith.extui %sign3A_222 : i1 to i32
      %sign3A_224 = arith.subi %sign3A_220, %sign3A_223 : i32
      %sign3A_225 = arith.constant 0 : i32
      %sign3A_226 = arith.cmpi sgt, %jit3A_216, %sign3A_225 : i32
      %sign3A_227 = arith.extui %sign3A_226 : i1 to i32
      %sign3A_228 = arith.constant 0 : i32
      %sign3A_229 = arith.cmpi slt, %jit3A_216, %sign3A_228 : i32
      %sign3A_230 = arith.extui %sign3A_229 : i1 to i32
      %sign3A_231 = arith.subi %sign3A_227, %sign3A_230 : i32
      %ne3A_232 = arith.cmpi ne, %sign3A_224, %sign3A_231 : i32
      %rem3A_233 = arith.remsi %add3A_215, %jit3A_216 : i32
      %ne3A_234 = arith.constant 0 : i32
      %ne3A_235 = arith.cmpi ne, %rem3A_233, %ne3A_234 : i32
      %and3A_236 = arith.andi %ne3A_232, %ne3A_235 : i1
      %sub3A_237 = arith.constant 1 : i32
      %sub3A_238 = arith.subi %div3A_217, %sub3A_237 : i32
      %select_n3A_239 = arith.select %and3A_236, %sub3A_238, %div3A_217 : i32
      %jit3A_240 = arith.constant 96 : i32
      %eq3A_241 = arith.constant 0 : i32
      %eq3A_242 = arith.cmpi eq, %jit3A_240, %eq3A_241 : i32
      %jit3A_243 = arith.constant 1 : i32
      %select_n3A_244 = arith.select %eq3A_242, %jit3A_243, %jit3A_240 : i32
      %rem3A_245 = arith.remsi %add3A_215, %select_n3A_244 : i32
      %ne3A_246 = arith.constant 0 : i32
      %ne3A_247 = arith.cmpi ne, %rem3A_245, %ne3A_246 : i32
      %lt3A_248 = arith.constant 0 : i32
      %lt3A_249 = arith.cmpi slt, %rem3A_245, %lt3A_248 : i32
      %lt3A_250 = arith.constant 0 : i32
      %lt3A_251 = arith.cmpi slt, %select_n3A_244, %lt3A_250 : i32
      %ne3A_252 = arith.xori %lt3A_249, %lt3A_251 : i1
      %and3A_253 = arith.andi %ne3A_252, %ne3A_247 : i1
      %add3A_254 = arith.addi %rem3A_245, %select_n3A_244 : i32
      %select_n3A_255 = arith.select %and3A_253, %add3A_254, %rem3A_245 : i32
      %jit3A_256 = arith.constant 12 : i32
      %div3A_257 = arith.divsi %select_n3A_255, %jit3A_256 : i32
      %sign3A_258 = arith.constant 0 : i32
      %sign3A_259 = arith.cmpi sgt, %select_n3A_255, %sign3A_258 : i32
      %sign3A_260 = arith.extui %sign3A_259 : i1 to i32
      %sign3A_261 = arith.constant 0 : i32
      %sign3A_262 = arith.cmpi slt, %select_n3A_255, %sign3A_261 : i32
      %sign3A_263 = arith.extui %sign3A_262 : i1 to i32
      %sign3A_264 = arith.subi %sign3A_260, %sign3A_263 : i32
      %sign3A_265 = arith.constant 0 : i32
      %sign3A_266 = arith.cmpi sgt, %jit3A_256, %sign3A_265 : i32
      %sign3A_267 = arith.extui %sign3A_266 : i1 to i32
      %sign3A_268 = arith.constant 0 : i32
      %sign3A_269 = arith.cmpi slt, %jit3A_256, %sign3A_268 : i32
      %sign3A_270 = arith.extui %sign3A_269 : i1 to i32
      %sign3A_271 = arith.subi %sign3A_267, %sign3A_270 : i32
      %ne3A_272 = arith.cmpi ne, %sign3A_264, %sign3A_271 : i32
      %rem3A_273 = arith.remsi %select_n3A_255, %jit3A_256 : i32
      %ne3A_274 = arith.constant 0 : i32
      %ne3A_275 = arith.cmpi ne, %rem3A_273, %ne3A_274 : i32
      %and3A_276 = arith.andi %ne3A_272, %ne3A_275 : i1
      %sub3A_277 = arith.constant 1 : i32
      %sub3A_278 = arith.subi %div3A_257, %sub3A_277 : i32
      %select_n3A_279 = arith.select %and3A_276, %sub3A_278, %div3A_257 : i32
      %jit3A_280 = arith.constant 12 : i32
      %eq3A_281 = arith.constant 0 : i32
      %eq3A_282 = arith.cmpi eq, %jit3A_280, %eq3A_281 : i32
      %jit3A_283 = arith.constant 1 : i32
      %select_n3A_284 = arith.select %eq3A_282, %jit3A_283, %jit3A_280 : i32
      %rem3A_285 = arith.remsi %select_n3A_255, %select_n3A_284 : i32
      %ne3A_286 = arith.constant 0 : i32
      %ne3A_287 = arith.cmpi ne, %rem3A_285, %ne3A_286 : i32
      %lt3A_288 = arith.constant 0 : i32
      %lt3A_289 = arith.cmpi slt, %rem3A_285, %lt3A_288 : i32
      %lt3A_290 = arith.constant 0 : i32
      %lt3A_291 = arith.cmpi slt, %select_n3A_284, %lt3A_290 : i32
      %ne3A_292 = arith.xori %lt3A_289, %lt3A_291 : i1
      %and3A_293 = arith.andi %ne3A_292, %ne3A_287 : i1
      %add3A_294 = arith.addi %rem3A_285, %select_n3A_284 : i32
      %select_n3A_295 = arith.select %and3A_293, %add3A_294, %rem3A_285 : i32
      %add3A_296 = arith.constant 1 : i32
      %add3A_297 = arith.addi %add3A_212, %add3A_296 : i32
      %lt3A_298 = arith.constant 36 : i32
      %lt3A_299 = arith.cmpi slt, %add3A_297, %lt3A_298 : i32
      %convert_element_type3A_300 = arith.extui %lt3A_299 : i1 to i32
      %cond3A_301 = arith.constant 0 : i32
      %cond3A_302 = arith.cmpi ne, %convert_element_type3A_300, %cond3A_301 : i32
      scf.if %cond3A_302 {
        %add3A_330 = arith.constant 1 : i32
        %add3A_331 = arith.addi %add3A_215, %add3A_330 : i32
        %jit3A_332 = arith.constant 96 : i32
        %div3A_333 = arith.divsi %add3A_331, %jit3A_332 : i32
        %sign3A_334 = arith.constant 0 : i32
        %sign3A_335 = arith.cmpi sgt, %add3A_331, %sign3A_334 : i32
        %sign3A_336 = arith.extui %sign3A_335 : i1 to i32
        %sign3A_337 = arith.constant 0 : i32
        %sign3A_338 = arith.cmpi slt, %add3A_331, %sign3A_337 : i32
        %sign3A_339 = arith.extui %sign3A_338 : i1 to i32
        %sign3A_340 = arith.subi %sign3A_336, %sign3A_339 : i32
        %sign3A_341 = arith.constant 0 : i32
        %sign3A_342 = arith.cmpi sgt, %jit3A_332, %sign3A_341 : i32
        %sign3A_343 = arith.extui %sign3A_342 : i1 to i32
        %sign3A_344 = arith.constant 0 : i32
        %sign3A_345 = arith.cmpi slt, %jit3A_332, %sign3A_344 : i32
        %sign3A_346 = arith.extui %sign3A_345 : i1 to i32
        %sign3A_347 = arith.subi %sign3A_343, %sign3A_346 : i32
        %ne3A_348 = arith.cmpi ne, %sign3A_340, %sign3A_347 : i32
        %rem3A_349 = arith.remsi %add3A_331, %jit3A_332 : i32
        %ne3A_350 = arith.constant 0 : i32
        %ne3A_351 = arith.cmpi ne, %rem3A_349, %ne3A_350 : i32
        %and3A_352 = arith.andi %ne3A_348, %ne3A_351 : i1
        %sub3A_353 = arith.constant 1 : i32
        %sub3A_354 = arith.subi %div3A_333, %sub3A_353 : i32
        %select_n3A_355 = arith.select %and3A_352, %sub3A_354, %div3A_333 : i32
        %jit3A_356 = arith.constant 96 : i32
        %eq3A_357 = arith.constant 0 : i32
        %eq3A_358 = arith.cmpi eq, %jit3A_356, %eq3A_357 : i32
        %jit3A_359 = arith.constant 1 : i32
        %select_n3A_360 = arith.select %eq3A_358, %jit3A_359, %jit3A_356 : i32
        %rem3A_361 = arith.remsi %add3A_331, %select_n3A_360 : i32
        %ne3A_362 = arith.constant 0 : i32
        %ne3A_363 = arith.cmpi ne, %rem3A_361, %ne3A_362 : i32
        %lt3A_364 = arith.constant 0 : i32
        %lt3A_365 = arith.cmpi slt, %rem3A_361, %lt3A_364 : i32
        %lt3A_366 = arith.constant 0 : i32
        %lt3A_367 = arith.cmpi slt, %select_n3A_360, %lt3A_366 : i32
        %ne3A_368 = arith.xori %lt3A_365, %lt3A_367 : i1
        %and3A_369 = arith.andi %ne3A_368, %ne3A_363 : i1
        %add3A_370 = arith.addi %rem3A_361, %select_n3A_360 : i32
        %select_n3A_371 = arith.select %and3A_369, %add3A_370, %rem3A_361 : i32
        %mul3A_372 = arith.constant 192 : i32
        %mul3A_373 = arith.muli %select_n3A_355, %mul3A_372 : i32
        %add3A_374 = arith.addi %mul3A_373, %select_n3A_371 : i32
        %add3A_375 = arith.constant 0 : i32
        %add3A_376 = arith.addi %add3A_374, %add3A_375 : i32
        %mul3A_377 = arith.constant 16384 : i32
        %mul3A_378 = arith.muli %add3A_376, %mul3A_377 : i32
        %dma_start3A_379 = arith.constant 0 : i32
        %dma_start3A_380 = tpu.memref_slice %arg6[%dma_start3A_379] : memref<32768xf32, #tpu.memory_space<vmem>> -> memref<16384xf32, #tpu.memory_space<vmem>>
        %dma_start3A_381 = tpu.memref_slice %arg2[%mul3A_378] : memref<37748736xf32, #tpu.memory_space<hbm>> -> memref<16384xf32, #tpu.memory_space<hbm>>
        %dma_start3A_382 = arith.constant 0 : i32
        %dma_start3A_383 = tpu.memref_slice %arg6[%dma_start3A_382] : memref<32768xf32, #tpu.memory_space<vmem>> -> memref<16384xf32, #tpu.memory_space<vmem>>
        %dma_start3A_384 = tpu.memref_slice %arg2[%mul3A_378] : memref<37748736xf32, #tpu.memory_space<hbm>> -> memref<16384xf32, #tpu.memory_space<hbm>>
        tpu.enqueue_dma source(%dma_start3A_384 : memref<16384xf32, #tpu.memory_space<hbm>>) target(%dma_start3A_383 : memref<16384xf32, #tpu.memory_space<vmem>>) target_semaphore(%arg9 : memref<!tpu.dma_semaphore, #tpu.memory_space<semaphore_mem>>)
        %add3A_385 = arith.constant 96 : i32
        %add3A_386 = arith.addi %add3A_374, %add3A_385 : i32
        %mul3A_387 = arith.constant 16384 : i32
        %mul3A_388 = arith.muli %add3A_386, %mul3A_387 : i32
        %dma_start3A_389 = arith.constant 16384 : i32
        %dma_start3A_390 = tpu.memref_slice %arg6[%dma_start3A_389] : memref<32768xf32, #tpu.memory_space<vmem>> -> memref<16384xf32, #tpu.memory_space<vmem>>
        %dma_start3A_391 = tpu.memref_slice %arg2[%mul3A_388] : memref<37748736xf32, #tpu.memory_space<hbm>> -> memref<16384xf32, #tpu.memory_space<hbm>>
        %dma_start3A_392 = arith.constant 16384 : i32
        %dma_start3A_393 = tpu.memref_slice %arg6[%dma_start3A_392] : memref<32768xf32, #tpu.memory_space<vmem>> -> memref<16384xf32, #tpu.memory_space<vmem>>
        %dma_start3A_394 = tpu.memref_slice %arg2[%mul3A_388] : memref<37748736xf32, #tpu.memory_space<hbm>> -> memref<16384xf32, #tpu.memory_space<hbm>>
        tpu.enqueue_dma source(%dma_start3A_394 : memref<16384xf32, #tpu.memory_space<hbm>>) target(%dma_start3A_393 : memref<16384xf32, #tpu.memory_space<vmem>>) target_semaphore(%arg9 : memref<!tpu.dma_semaphore, #tpu.memory_space<semaphore_mem>>)
      } else {
      }
      %gt3A_303 = arith.constant 0 : i32
      %gt3A_304 = arith.cmpi sgt, %add3A_212, %gt3A_303 : i32
      %convert_element_type3A_305 = arith.extui %gt3A_304 : i1 to i32
      %cond3A_306 = arith.constant 0 : i32
      %cond3A_307 = arith.cmpi ne, %convert_element_type3A_305, %cond3A_306 : i32
      scf.if %cond3A_307 {
        %dma_wait3A_330 = arith.constant 0 : i32
        %dma_wait3A_331 = tpu.memref_slice %arg8[%dma_wait3A_330] : memref<32768xf32, #tpu.memory_space<vmem>> -> memref<8192xf32, #tpu.memory_space<vmem>>
        %dma_wait3A_332 = arith.constant 0 : i32
        %dma_wait3A_333 = tpu.memref_slice %arg4[%dma_wait3A_332] : memref<37748736xf32, #tpu.memory_space<hbm>> -> memref<8192xf32, #tpu.memory_space<hbm>>
        %dma_wait3A_334 = arith.constant 0 : i32
        %dma_wait3A_335 = tpu.memref_slice %arg4[%dma_wait3A_334] : memref<37748736xf32, #tpu.memory_space<hbm>> -> memref<8192xf32, #tpu.memory_space<hbm>>
        %dma_wait3A_336 = arith.constant 0 : i32
        %dma_wait3A_337 = tpu.memref_slice %arg8[%dma_wait3A_336] : memref<32768xf32, #tpu.memory_space<vmem>> -> memref<8192xf32, #tpu.memory_space<vmem>>
        tpu.wait_dma2 semaphore(%arg11 : memref<!tpu.dma_semaphore, #tpu.memory_space<semaphore_mem>>) src(%dma_wait3A_337 : memref<8192xf32, #tpu.memory_space<vmem>>) dst(%dma_wait3A_335 : memref<8192xf32, #tpu.memory_space<hbm>>)
        %dma_wait3A_338 = arith.constant 8192 : i32
        %dma_wait3A_339 = tpu.memref_slice %arg8[%dma_wait3A_338] : memref<32768xf32, #tpu.memory_space<vmem>> -> memref<8192xf32, #tpu.memory_space<vmem>>
        %dma_wait3A_340 = arith.constant 0 : i32
        %dma_wait3A_341 = tpu.memref_slice %arg4[%dma_wait3A_340] : memref<37748736xf32, #tpu.memory_space<hbm>> -> memref<8192xf32, #tpu.memory_space<hbm>>
        %dma_wait3A_342 = arith.constant 0 : i32
        %dma_wait3A_343 = tpu.memref_slice %arg4[%dma_wait3A_342] : memref<37748736xf32, #tpu.memory_space<hbm>> -> memref<8192xf32, #tpu.memory_space<hbm>>
        %dma_wait3A_344 = arith.constant 8192 : i32
        %dma_wait3A_345 = tpu.memref_slice %arg8[%dma_wait3A_344] : memref<32768xf32, #tpu.memory_space<vmem>> -> memref<8192xf32, #tpu.memory_space<vmem>>
        tpu.wait_dma2 semaphore(%arg11 : memref<!tpu.dma_semaphore, #tpu.memory_space<semaphore_mem>>) src(%dma_wait3A_345 : memref<8192xf32, #tpu.memory_space<vmem>>) dst(%dma_wait3A_343 : memref<8192xf32, #tpu.memory_space<hbm>>)
        %dma_wait3A_346 = arith.constant 16384 : i32
        %dma_wait3A_347 = tpu.memref_slice %arg8[%dma_wait3A_346] : memref<32768xf32, #tpu.memory_space<vmem>> -> memref<8192xf32, #tpu.memory_space<vmem>>
        %dma_wait3A_348 = arith.constant 0 : i32
        %dma_wait3A_349 = tpu.memref_slice %arg4[%dma_wait3A_348] : memref<37748736xf32, #tpu.memory_space<hbm>> -> memref<8192xf32, #tpu.memory_space<hbm>>
        %dma_wait3A_350 = arith.constant 0 : i32
        %dma_wait3A_351 = tpu.memref_slice %arg4[%dma_wait3A_350] : memref<37748736xf32, #tpu.memory_space<hbm>> -> memref<8192xf32, #tpu.memory_space<hbm>>
        %dma_wait3A_352 = arith.constant 16384 : i32
        %dma_wait3A_353 = tpu.memref_slice %arg8[%dma_wait3A_352] : memref<32768xf32, #tpu.memory_space<vmem>> -> memref<8192xf32, #tpu.memory_space<vmem>>
        tpu.wait_dma2 semaphore(%arg11 : memref<!tpu.dma_semaphore, #tpu.memory_space<semaphore_mem>>) src(%dma_wait3A_353 : memref<8192xf32, #tpu.memory_space<vmem>>) dst(%dma_wait3A_351 : memref<8192xf32, #tpu.memory_space<hbm>>)
        %dma_wait3A_354 = arith.constant 24576 : i32
        %dma_wait3A_355 = tpu.memref_slice %arg8[%dma_wait3A_354] : memref<32768xf32, #tpu.memory_space<vmem>> -> memref<8192xf32, #tpu.memory_space<vmem>>
        %dma_wait3A_356 = arith.constant 0 : i32
        %dma_wait3A_357 = tpu.memref_slice %arg4[%dma_wait3A_356] : memref<37748736xf32, #tpu.memory_space<hbm>> -> memref<8192xf32, #tpu.memory_space<hbm>>
        %dma_wait3A_358 = arith.constant 0 : i32
        %dma_wait3A_359 = tpu.memref_slice %arg4[%dma_wait3A_358] : memref<37748736xf32, #tpu.memory_space<hbm>> -> memref<8192xf32, #tpu.memory_space<hbm>>
        %dma_wait3A_360 = arith.constant 24576 : i32
        %dma_wait3A_361 = tpu.memref_slice %arg8[%dma_wait3A_360] : memref<32768xf32, #tpu.memory_space<vmem>> -> memref<8192xf32, #tpu.memory_space<vmem>>
        tpu.wait_dma2 semaphore(%arg11 : memref<!tpu.dma_semaphore, #tpu.memory_space<semaphore_mem>>) src(%dma_wait3A_361 : memref<8192xf32, #tpu.memory_space<vmem>>) dst(%dma_wait3A_359 : memref<8192xf32, #tpu.memory_space<hbm>>)
      } else {
      }
      %dma_wait3A_308 = arith.constant 0 : i32
      %dma_wait3A_309 = tpu.memref_slice %arg7[%dma_wait3A_308] : memref<32768xf32, #tpu.memory_space<vmem>> -> memref<16384xf32, #tpu.memory_space<vmem>>
      %dma_wait3A_310 = arith.constant 0 : i32
      %dma_wait3A_311 = tpu.memref_slice %arg2[%dma_wait3A_310] : memref<37748736xf32, #tpu.memory_space<hbm>> -> memref<16384xf32, #tpu.memory_space<hbm>>
      %dma_wait3A_312 = arith.constant 0 : i32
      %dma_wait3A_313 = tpu.memref_slice %arg7[%dma_wait3A_312] : memref<32768xf32, #tpu.memory_space<vmem>> -> memref<16384xf32, #tpu.memory_space<vmem>>
      %dma_wait3A_314 = arith.constant 0 : i32
      %dma_wait3A_315 = tpu.memref_slice %arg2[%dma_wait3A_314] : memref<37748736xf32, #tpu.memory_space<hbm>> -> memref<16384xf32, #tpu.memory_space<hbm>>
      tpu.wait_dma2 semaphore(%arg10 : memref<!tpu.dma_semaphore, #tpu.memory_space<semaphore_mem>>) src(%dma_wait3A_315 : memref<16384xf32, #tpu.memory_space<hbm>>) dst(%dma_wait3A_313 : memref<16384xf32, #tpu.memory_space<vmem>>)
      %dma_wait3A_316 = arith.constant 16384 : i32
      %dma_wait3A_317 = tpu.memref_slice %arg7[%dma_wait3A_316] : memref<32768xf32, #tpu.memory_space<vmem>> -> memref<16384xf32, #tpu.memory_space<vmem>>
      %dma_wait3A_318 = arith.constant 0 : i32
      %dma_wait3A_319 = tpu.memref_slice %arg2[%dma_wait3A_318] : memref<37748736xf32, #tpu.memory_space<hbm>> -> memref<16384xf32, #tpu.memory_space<hbm>>
      %dma_wait3A_320 = arith.constant 16384 : i32
      %dma_wait3A_321 = tpu.memref_slice %arg7[%dma_wait3A_320] : memref<32768xf32, #tpu.memory_space<vmem>> -> memref<16384xf32, #tpu.memory_space<vmem>>
      %dma_wait3A_322 = arith.constant 0 : i32
      %dma_wait3A_323 = tpu.memref_slice %arg2[%dma_wait3A_322] : memref<37748736xf32, #tpu.memory_space<hbm>> -> memref<16384xf32, #tpu.memory_space<hbm>>
      tpu.wait_dma2 semaphore(%arg10 : memref<!tpu.dma_semaphore, #tpu.memory_space<semaphore_mem>>) src(%dma_wait3A_323 : memref<16384xf32, #tpu.memory_space<hbm>>) dst(%dma_wait3A_321 : memref<16384xf32, #tpu.memory_space<vmem>>)
      %scan3A_324 = arith.constant 0 : i32
      %scan3A_325 = arith.constant 0 : i32
      %scan3A_326 = arith.constant 4 : i32
      %scan3A_327 = arith.addi %scan3A_325, %scan3A_326 : i32
      %scan3A_328 = arith.constant 1 : i32
      scf.for %scan3A_330 = %scan3A_325 to %scan3A_327 step %scan3A_328  : i32 {
        %jit3A_331 = arith.constant 2 : i32
        %div3A_332 = arith.divsi %scan3A_330, %jit3A_331 : i32
        %sign3A_333 = arith.constant 0 : i32
        %sign3A_334 = arith.cmpi sgt, %scan3A_330, %sign3A_333 : i32
        %sign3A_335 = arith.extui %sign3A_334 : i1 to i32
        %sign3A_336 = arith.constant 0 : i32
        %sign3A_337 = arith.cmpi slt, %scan3A_330, %sign3A_336 : i32
        %sign3A_338 = arith.extui %sign3A_337 : i1 to i32
        %sign3A_339 = arith.subi %sign3A_335, %sign3A_338 : i32
        %sign3A_340 = arith.constant 0 : i32
        %sign3A_341 = arith.cmpi sgt, %jit3A_331, %sign3A_340 : i32
        %sign3A_342 = arith.extui %sign3A_341 : i1 to i32
        %sign3A_343 = arith.constant 0 : i32
        %sign3A_344 = arith.cmpi slt, %jit3A_331, %sign3A_343 : i32
        %sign3A_345 = arith.extui %sign3A_344 : i1 to i32
        %sign3A_346 = arith.subi %sign3A_342, %sign3A_345 : i32
        %ne3A_347 = arith.cmpi ne, %sign3A_339, %sign3A_346 : i32
        %rem3A_348 = arith.remsi %scan3A_330, %jit3A_331 : i32
        %ne3A_349 = arith.constant 0 : i32
        %ne3A_350 = arith.cmpi ne, %rem3A_348, %ne3A_349 : i32
        %and3A_351 = arith.andi %ne3A_347, %ne3A_350 : i1
        %sub3A_352 = arith.constant 1 : i32
        %sub3A_353 = arith.subi %div3A_332, %sub3A_352 : i32
        %select_n3A_354 = arith.select %and3A_351, %sub3A_353, %div3A_332 : i32
        %jit3A_355 = arith.constant 2 : i32
        %eq3A_356 = arith.constant 0 : i32
        %eq3A_357 = arith.cmpi eq, %jit3A_355, %eq3A_356 : i32
        %jit3A_358 = arith.constant 1 : i32
        %select_n3A_359 = arith.select %eq3A_357, %jit3A_358, %jit3A_355 : i32
        %rem3A_360 = arith.remsi %scan3A_330, %select_n3A_359 : i32
        %ne3A_361 = arith.constant 0 : i32
        %ne3A_362 = arith.cmpi ne, %rem3A_360, %ne3A_361 : i32
        %lt3A_363 = arith.constant 0 : i32
        %lt3A_364 = arith.cmpi slt, %rem3A_360, %lt3A_363 : i32
        %lt3A_365 = arith.constant 0 : i32
        %lt3A_366 = arith.cmpi slt, %select_n3A_359, %lt3A_365 : i32
        %ne3A_367 = arith.xori %lt3A_364, %lt3A_366 : i1
        %and3A_368 = arith.andi %ne3A_367, %ne3A_362 : i1
        %add3A_369 = arith.addi %rem3A_360, %select_n3A_359 : i32
        %select_n3A_370 = arith.select %and3A_368, %add3A_369, %rem3A_360 : i32
        %parallel_loop3A = arith.constant 0 : i32
        %parallel_loop3A_371 = arith.constant 512 : i32
        %parallel_loop3A_372 = arith.constant 1 : i32
        scf.for %parallel_loop3A_393 = %parallel_loop3A to %parallel_loop3A_371 step %parallel_loop3A_372  : i32 {
          %parallel_loop3A_394 = arith.constant 8 : i32
          %parallel_loop3A_395 = arith.divsi %parallel_loop3A_393, %parallel_loop3A_394 : i32
          %parallel_loop3A_396 = arith.constant 0 : i32
          %parallel_loop3A_397 = arith.cmpi sgt, %parallel_loop3A_393, %parallel_loop3A_396 : i32
          %parallel_loop3A_398 = arith.extui %parallel_loop3A_397 : i1 to i32
          %parallel_loop3A_399 = arith.constant 0 : i32
          %parallel_loop3A_400 = arith.cmpi slt, %parallel_loop3A_393, %parallel_loop3A_399 : i32
          %parallel_loop3A_401 = arith.extui %parallel_loop3A_400 : i1 to i32
          %parallel_loop3A_402 = arith.subi %parallel_loop3A_398, %parallel_loop3A_401 : i32
          %parallel_loop3A_403 = arith.constant 0 : i32
          %parallel_loop3A_404 = arith.cmpi sgt, %parallel_loop3A_394, %parallel_loop3A_403 : i32
          %parallel_loop3A_405 = arith.extui %parallel_loop3A_404 : i1 to i32
          %parallel_loop3A_406 = arith.constant 0 : i32
          %parallel_loop3A_407 = arith.cmpi slt, %parallel_loop3A_394, %parallel_loop3A_406 : i32
          %parallel_loop3A_408 = arith.extui %parallel_loop3A_407 : i1 to i32
          %parallel_loop3A_409 = arith.subi %parallel_loop3A_405, %parallel_loop3A_408 : i32
          %parallel_loop3A_410 = arith.cmpi ne, %parallel_loop3A_402, %parallel_loop3A_409 : i32
          %parallel_loop3A_411 = arith.remsi %parallel_loop3A_393, %parallel_loop3A_394 : i32
          %parallel_loop3A_412 = arith.constant 0 : i32
          %parallel_loop3A_413 = arith.cmpi ne, %parallel_loop3A_411, %parallel_loop3A_412 : i32
          %parallel_loop3A_414 = arith.andi %parallel_loop3A_410, %parallel_loop3A_413 : i1
          %parallel_loop3A_415 = arith.constant 1 : i32
          %parallel_loop3A_416 = arith.subi %parallel_loop3A_395, %parallel_loop3A_415 : i32
          %parallel_loop3A_417 = arith.select %parallel_loop3A_414, %parallel_loop3A_416, %parallel_loop3A_395 : i32
          %parallel_loop3A_418 = arith.constant 8 : i32
          %parallel_loop3A_419 = arith.constant 0 : i32
          %parallel_loop3A_420 = arith.cmpi eq, %parallel_loop3A_418, %parallel_loop3A_419 : i32
          %parallel_loop3A_421 = arith.constant 1 : i32
          %parallel_loop3A_422 = arith.select %parallel_loop3A_420, %parallel_loop3A_421, %parallel_loop3A_418 : i32
          %parallel_loop3A_423 = arith.remsi %parallel_loop3A_393, %parallel_loop3A_422 : i32
          %parallel_loop3A_424 = arith.constant 0 : i32
          %parallel_loop3A_425 = arith.cmpi ne, %parallel_loop3A_423, %parallel_loop3A_424 : i32
          %parallel_loop3A_426 = arith.constant 0 : i32
          %parallel_loop3A_427 = arith.cmpi slt, %parallel_loop3A_423, %parallel_loop3A_426 : i32
          %parallel_loop3A_428 = arith.constant 0 : i32
          %parallel_loop3A_429 = arith.cmpi slt, %parallel_loop3A_422, %parallel_loop3A_428 : i32
          %parallel_loop3A_430 = arith.xori %parallel_loop3A_427, %parallel_loop3A_429 : i1
          %parallel_loop3A_431 = arith.andi %parallel_loop3A_430, %parallel_loop3A_425 : i1
          %parallel_loop3A_432 = arith.addi %parallel_loop3A_423, %parallel_loop3A_422 : i32
          %parallel_loop3A_433 = arith.select %parallel_loop3A_431, %parallel_loop3A_432, %parallel_loop3A_423 : i32
          %parallel_loop3A_434 = arith.constant 8 : i32
          %parallel_loop3A_435 = arith.divsi %parallel_loop3A_417, %parallel_loop3A_434 : i32
          %parallel_loop3A_436 = arith.constant 0 : i32
          %parallel_loop3A_437 = arith.cmpi sgt, %parallel_loop3A_417, %parallel_loop3A_436 : i32
          %parallel_loop3A_438 = arith.extui %parallel_loop3A_437 : i1 to i32
          %parallel_loop3A_439 = arith.constant 0 : i32
          %parallel_loop3A_440 = arith.cmpi slt, %parallel_loop3A_417, %parallel_loop3A_439 : i32
          %parallel_loop3A_441 = arith.extui %parallel_loop3A_440 : i1 to i32
          %parallel_loop3A_442 = arith.subi %parallel_loop3A_438, %parallel_loop3A_441 : i32
          %parallel_loop3A_443 = arith.constant 0 : i32
          %parallel_loop3A_444 = arith.cmpi sgt, %parallel_loop3A_434, %parallel_loop3A_443 : i32
          %parallel_loop3A_445 = arith.extui %parallel_loop3A_444 : i1 to i32
          %parallel_loop3A_446 = arith.constant 0 : i32
          %parallel_loop3A_447 = arith.cmpi slt, %parallel_loop3A_434, %parallel_loop3A_446 : i32
          %parallel_loop3A_448 = arith.extui %parallel_loop3A_447 : i1 to i32
          %parallel_loop3A_449 = arith.subi %parallel_loop3A_445, %parallel_loop3A_448 : i32
          %parallel_loop3A_450 = arith.cmpi ne, %parallel_loop3A_442, %parallel_loop3A_449 : i32
          %parallel_loop3A_451 = arith.remsi %parallel_loop3A_417, %parallel_loop3A_434 : i32
          %parallel_loop3A_452 = arith.constant 0 : i32
          %parallel_loop3A_453 = arith.cmpi ne, %parallel_loop3A_451, %parallel_loop3A_452 : i32
          %parallel_loop3A_454 = arith.andi %parallel_loop3A_450, %parallel_loop3A_453 : i1
          %parallel_loop3A_455 = arith.constant 1 : i32
          %parallel_loop3A_456 = arith.subi %parallel_loop3A_435, %parallel_loop3A_455 : i32
          %parallel_loop3A_457 = arith.select %parallel_loop3A_454, %parallel_loop3A_456, %parallel_loop3A_435 : i32
          %parallel_loop3A_458 = arith.constant 2048 : i32
          %parallel_loop3A_459 = arith.muli %parallel_loop3A_457, %parallel_loop3A_458 : i32
          %parallel_loop3A_460 = arith.constant 8 : i32
          %parallel_loop3A_461 = arith.constant 0 : i32
          %parallel_loop3A_462 = arith.cmpi eq, %parallel_loop3A_460, %parallel_loop3A_461 : i32
          %parallel_loop3A_463 = arith.constant 1 : i32
          %parallel_loop3A_464 = arith.select %parallel_loop3A_462, %parallel_loop3A_463, %parallel_loop3A_460 : i32
          %parallel_loop3A_465 = arith.remsi %parallel_loop3A_417, %parallel_loop3A_464 : i32
          %parallel_loop3A_466 = arith.constant 0 : i32
          %parallel_loop3A_467 = arith.cmpi ne, %parallel_loop3A_465, %parallel_loop3A_466 : i32
          %parallel_loop3A_468 = arith.constant 0 : i32
          %parallel_loop3A_469 = arith.cmpi slt, %parallel_loop3A_465, %parallel_loop3A_468 : i32
          %parallel_loop3A_470 = arith.constant 0 : i32
          %parallel_loop3A_471 = arith.cmpi slt, %parallel_loop3A_464, %parallel_loop3A_470 : i32
          %parallel_loop3A_472 = arith.xori %parallel_loop3A_469, %parallel_loop3A_471 : i1
          %parallel_loop3A_473 = arith.andi %parallel_loop3A_472, %parallel_loop3A_467 : i1
          %parallel_loop3A_474 = arith.addi %parallel_loop3A_465, %parallel_loop3A_464 : i32
          %parallel_loop3A_475 = arith.select %parallel_loop3A_473, %parallel_loop3A_474, %parallel_loop3A_465 : i32
          %parallel_loop3A_476 = arith.constant 128 : i32
          %parallel_loop3A_477 = arith.muli %parallel_loop3A_475, %parallel_loop3A_476 : i32
          %parallel_loop3A_478 = arith.addi %parallel_loop3A_459, %parallel_loop3A_477 : i32
          %parallel_loop3A_479 = arith.constant 128 : i32
          %parallel_loop3A_480 = arith.muli %scan3A_330, %parallel_loop3A_479 : i32
          %parallel_loop3A_481 = arith.constant 16 : i32
          %parallel_loop3A_482 = arith.muli %parallel_loop3A_433, %parallel_loop3A_481 : i32
          %parallel_loop3A_483 = arith.addi %parallel_loop3A_480, %parallel_loop3A_482 : i32
          %parallel_loop3A_484 = arith.index_cast %parallel_loop3A_483 : i32 to index
          %parallel_loop3A_485 = tpu.vector_load %arg5[%parallel_loop3A_484] {strides = array<i32>} : memref<512xi32, #tpu.memory_space<vmem>>, vector<16xi32>,
          %parallel_loop3A_486 = vector.broadcast %parallel_loop3A_478 : i32 to vector<16xi32>
          %parallel_loop3A_487 = arith.addi %parallel_loop3A_485, %parallel_loop3A_486 : vector<16xi32>
          %parallel_loop3A_488 = tpu.vector_load_idx %arg7[%parallel_loop3A_487] : memref<32768xf32, #tpu.memory_space<vmem>>[vector<16xi32>], vector<16xf32>,
          %parallel_loop3A_489 = arith.constant 8192 : i32
          %parallel_loop3A_490 = arith.muli %scan3A_330, %parallel_loop3A_489 : i32
          %parallel_loop3A_491 = arith.constant 128 : i32
          %parallel_loop3A_492 = arith.muli %parallel_loop3A_417, %parallel_loop3A_491 : i32
          %parallel_loop3A_493 = arith.addi %parallel_loop3A_490, %parallel_loop3A_492 : i32
          %parallel_loop3A_494 = arith.constant 16 : i32
          %parallel_loop3A_495 = arith.muli %parallel_loop3A_433, %parallel_loop3A_494 : i32
          %parallel_loop3A_496 = arith.addi %parallel_loop3A_493, %parallel_loop3A_495 : i32
          %parallel_loop3A_497 = arith.index_cast %parallel_loop3A_496 : i32 to index
          %parallel_loop3A_498 = tpu.vector_load %arg8[%parallel_loop3A_497] {strides = array<i32>} : memref<32768xf32, #tpu.memory_space<vmem>>, vector<16xf32>,
          tpu.vector_store %arg8[%parallel_loop3A_497], %parallel_loop3A_488 {strides = array<i32>} : memref<32768xf32, #tpu.memory_space<vmem>>, vector<16xf32>,
        } {sc.loop_unroll_factor = 64 : i64, sc.parallel_access}
        %mul3A_373 = arith.constant 2 : i32
        %mul3A_374 = arith.muli %select_n3A_239, %mul3A_373 : i32
        %add3A_375 = arith.addi %mul3A_374, %select_n3A_354 : i32
        %mul3A_376 = arith.constant 192 : i32
        %mul3A_377 = arith.muli %add3A_375, %mul3A_376 : i32
        %mul3A_378 = arith.constant 8 : i32
        %mul3A_379 = arith.muli %select_n3A_370, %mul3A_378 : i32
        %add3A_380 = arith.addi %mul3A_379, %select_n3A_279 : i32
        %mul3A_381 = arith.constant 12 : i32
        %mul3A_382 = arith.muli %add3A_380, %mul3A_381 : i32
        %add3A_383 = arith.addi %mul3A_377, %mul3A_382 : i32
        %add3A_384 = arith.addi %add3A_383, %select_n3A_295 : i32
        %mul3A_385 = arith.constant 8192 : i32
        %mul3A_386 = arith.muli %scan3A_330, %mul3A_385 : i32
        %mul3A_387 = arith.constant 8192 : i32
        %mul3A_388 = arith.muli %add3A_384, %mul3A_387 : i32
        %dma_start3A_389 = tpu.memref_slice %arg8[%mul3A_386] : memref<32768xf32, #tpu.memory_space<vmem>> -> memref<8192xf32, #tpu.memory_space<vmem>>
        %dma_start3A_390 = tpu.memref_slice %arg4[%mul3A_388] : memref<37748736xf32, #tpu.memory_space<hbm>> -> memref<8192xf32, #tpu.memory_space<hbm>>
        %dma_start3A_391 = tpu.memref_slice %arg4[%mul3A_388] : memref<37748736xf32, #tpu.memory_space<hbm>> -> memref<8192xf32, #tpu.memory_space<hbm>>
        %dma_start3A_392 = tpu.memref_slice %arg8[%mul3A_386] : memref<32768xf32, #tpu.memory_space<vmem>> -> memref<8192xf32, #tpu.memory_space<vmem>>
        tpu.enqueue_dma source(%dma_start3A_392 : memref<8192xf32, #tpu.memory_space<vmem>>) target(%dma_start3A_391 : memref<8192xf32, #tpu.memory_space<hbm>>) target_semaphore(%arg11 : memref<!tpu.dma_semaphore, #tpu.memory_space<semaphore_mem>>)
      }
      %scan3A_329 = arith.constant 4 : i32
    }
    %scan3A_58 = arith.constant 18 : i32
    %dma_wait3A = arith.constant 0 : i32
    %dma_wait3A_59 = tpu.memref_slice %arg8[%dma_wait3A] : memref<32768xf32, #tpu.memory_space<vmem>> -> memref<8192xf32, #tpu.memory_space<vmem>>
    %dma_wait3A_60 = arith.constant 0 : i32
    %dma_wait3A_61 = tpu.memref_slice %arg4[%dma_wait3A_60] : memref<37748736xf32, #tpu.memory_space<hbm>> -> memref<8192xf32, #tpu.memory_space<hbm>>
    %dma_wait3A_62 = arith.constant 0 : i32
    %dma_wait3A_63 = tpu.memref_slice %arg4[%dma_wait3A_62] : memref<37748736xf32, #tpu.memory_space<hbm>> -> memref<8192xf32, #tpu.memory_space<hbm>>
    %dma_wait3A_64 = arith.constant 0 : i32
    %dma_wait3A_65 = tpu.memref_slice %arg8[%dma_wait3A_64] : memref<32768xf32, #tpu.memory_space<vmem>> -> memref<8192xf32, #tpu.memory_space<vmem>>
    tpu.wait_dma2 semaphore(%arg11 : memref<!tpu.dma_semaphore, #tpu.memory_space<semaphore_mem>>) src(%dma_wait3A_65 : memref<8192xf32, #tpu.memory_space<vmem>>) dst(%dma_wait3A_63 : memref<8192xf32, #tpu.memory_space<hbm>>)
    %dma_wait3A_66 = arith.constant 8192 : i32
    %dma_wait3A_67 = tpu.memref_slice %arg8[%dma_wait3A_66] : memref<32768xf32, #tpu.memory_space<vmem>> -> memref<8192xf32, #tpu.memory_space<vmem>>
    %dma_wait3A_68 = arith.constant 0 : i32
    %dma_wait3A_69 = tpu.memref_slice %arg4[%dma_wait3A_68] : memref<37748736xf32, #tpu.memory_space<hbm>> -> memref<8192xf32, #tpu.memory_space<hbm>>
    %dma_wait3A_70 = arith.constant 0 : i32
    %dma_wait3A_71 = tpu.memref_slice %arg4[%dma_wait3A_70] : memref<37748736xf32, #tpu.memory_space<hbm>> -> memref<8192xf32, #tpu.memory_space<hbm>>
    %dma_wait3A_72 = arith.constant 8192 : i32
    %dma_wait3A_73 = tpu.memref_slice %arg8[%dma_wait3A_72] : memref<32768xf32, #tpu.memory_space<vmem>> -> memref<8192xf32, #tpu.memory_space<vmem>>
    tpu.wait_dma2 semaphore(%arg11 : memref<!tpu.dma_semaphore, #tpu.memory_space<semaphore_mem>>) src(%dma_wait3A_73 : memref<8192xf32, #tpu.memory_space<vmem>>) dst(%dma_wait3A_71 : memref<8192xf32, #tpu.memory_space<hbm>>)
    %dma_wait3A_74 = arith.constant 16384 : i32
    %dma_wait3A_75 = tpu.memref_slice %arg8[%dma_wait3A_74] : memref<32768xf32, #tpu.memory_space<vmem>> -> memref<8192xf32, #tpu.memory_space<vmem>>
    %dma_wait3A_76 = arith.constant 0 : i32
    %dma_wait3A_77 = tpu.memref_slice %arg4[%dma_wait3A_76] : memref<37748736xf32, #tpu.memory_space<hbm>> -> memref<8192xf32, #tpu.memory_space<hbm>>
    %dma_wait3A_78 = arith.constant 0 : i32
    %dma_wait3A_79 = tpu.memref_slice %arg4[%dma_wait3A_78] : memref<37748736xf32, #tpu.memory_space<hbm>> -> memref<8192xf32, #tpu.memory_space<hbm>>
    %dma_wait3A_80 = arith.constant 16384 : i32
    %dma_wait3A_81 = tpu.memref_slice %arg8[%dma_wait3A_80] : memref<32768xf32, #tpu.memory_space<vmem>> -> memref<8192xf32, #tpu.memory_space<vmem>>
    tpu.wait_dma2 semaphore(%arg11 : memref<!tpu.dma_semaphore, #tpu.memory_space<semaphore_mem>>) src(%dma_wait3A_81 : memref<8192xf32, #tpu.memory_space<vmem>>) dst(%dma_wait3A_79 : memref<8192xf32, #tpu.memory_space<hbm>>)
    %dma_wait3A_82 = arith.constant 24576 : i32
    %dma_wait3A_83 = tpu.memref_slice %arg8[%dma_wait3A_82] : memref<32768xf32, #tpu.memory_space<vmem>> -> memref<8192xf32, #tpu.memory_space<vmem>>
    %dma_wait3A_84 = arith.constant 0 : i32
    %dma_wait3A_85 = tpu.memref_slice %arg4[%dma_wait3A_84] : memref<37748736xf32, #tpu.memory_space<hbm>> -> memref<8192xf32, #tpu.memory_space<hbm>>
    %dma_wait3A_86 = arith.constant 0 : i32
    %dma_wait3A_87 = tpu.memref_slice %arg4[%dma_wait3A_86] : memref<37748736xf32, #tpu.memory_space<hbm>> -> memref<8192xf32, #tpu.memory_space<hbm>>
    %dma_wait3A_88 = arith.constant 24576 : i32
    %dma_wait3A_89 = tpu.memref_slice %arg8[%dma_wait3A_88] : memref<32768xf32, #tpu.memory_space<vmem>> -> memref<8192xf32, #tpu.memory_space<vmem>>
    tpu.wait_dma2 semaphore(%arg11 : memref<!tpu.dma_semaphore, #tpu.memory_space<semaphore_mem>>) src(%dma_wait3A_89 : memref<8192xf32, #tpu.memory_space<vmem>>) dst(%dma_wait3A_87 : memref<8192xf32, #tpu.memory_space<hbm>>)
    return
  }
}

</mosaic_0001>

<sc_bundles>
// kernel: kernel.3.cloned.1.call-start
scs
__scs_entry_jumppad:
0x0: {  	(pc) =	sbr.rel $0x88, $3  }
0x1: {  	(tag) =	ssettag $0x0;
	lr =	simm.s32 $0x1  }
0x2: {  	[smem:$0x3F9F] =	sst lr;
	_ =	strace $0xD0000000  }
0x3: {  	_ = 	snop  }
0x4: {  	_ = 	snop  }
0x5: {  	_ = 	snop  }
0x6: {  	_ = 	snop  }
0x7: {  	_ = 	snop  }
__scs_overlays_trampoline_lowered:
0x8: {  	[smem:$0x3FAE] =	sst s0  }
0x9: {  	[smem:$0x3FAF] =	sst s1  }
0xa: {  	[smem:$0x3FB0] =	sst s2  }
0xb: {  	[smem:$0x3FB1] =	sst s3  }
0xc: {  	[smem:$0x3FB2] =	sst s4  }
0xd: {  	[smem:$0x3FB3] =	sst s5  }
0xe: {  	[smem:$0x3FB4] =	sst s6  }
0xf: {  	[smem:$0x3FB5] =	sst s7  }
0x10: {  	[smem:$0x3FB6] =	sst s8  }
0x11: {  	[smem:$0x3FB7] =	sst s9;
	s0 =	simm.s32 @!p0 $0x0  }
0x12: {  	s1 =	sld [smem:$0x3F9D];
	s0 =	simm.s32 @p0 $0x1  }
0x13: {  	[smem:$0x3FB8] =	sst s0;
	s0 =	simm.s32 @!p1 $0x0  }
0x14: {  	s2 =	sld [smem:$0x3F9C];
	s0 =	simm.s32 @p1 $0x1  }
0x15: {  	[smem:$0x3FB9] =	sst s0;
	s0 =	simm.s32 @!p2 $0x0  }
0x16: {  	s3 =	sld [smem:$0x3FDB];
	s0 =	simm.s32 @p2 $0x1  }
0x17: {  	s4 =	simm.s32 $0x1BF5;
	[smem:$0x3FBB] =	sst s0  }
0x18: {  	s0 =	sld [smem:$0x3F9E];
	_ =	swait.ge [sflag:s4], $0x0  }
0x19: {  	s7 =	sld [smem:$0x3F9F]  }
0x1a: {  	s8 =	sadd.s32 $0xFFFFE003, lr  }
0x1b: {  	s9 =	sadd.s32 $0xFFFFFEF7, lr;
	s5 =	simm.s32 $0xFFFFFFFF;
	p2 =	slt.u32 s8, $0xFFFFF086  }
0x1c: {  	p1 =	slt.u32 s9, $0xF7A;
	s5 =	simm.s32 @!p2 $0x0  }
0x1d: {  	s5 =	simm.s32 @p1 $0x1;
	p0 =	seq.s32 s7, s2  }
0x1e: {  	s7 =	smul.u32 @!p0 $0xF7A, s2;
	p2 =	seq.s32 @!p0 s5, $0x0  }
0x1f: {  	s9 =	smul.u32 $0xF7A, s1;
	s8 =	simm.s32 @!p0 $0x1BF5;
	p2 =	por !p2, p0  }
0x20: {  	[sflag:s8] =	ssyncset.s32 @!p0 $0xFFFFF086;
	s6 =	sadd.s32 @!p0 s3, s7;
	s7 =	simm.s32 @!p0 $0x108  }
0x21: {  	s3 =	sadd.s32 s3, s9;
	s6 =	sadd.s32 @!p0 $0x88, s6;
	s7 =	simm.s32 @p2 $0x1082  }
0x22: {  	[simem:s7], [sflag:s8] =	dma.local @!p0 [hbm:s6], $0xF7A  }
0x23: {  	s9 =	sor.u32 $0xD0000000, s2;
	s6 =	simm.s32 $0x108;
	_ =	swait.ge @!p0 [sflag:s8], $0x0  }
0x24: {  	s3 =	sadd.s32 $0x88, s3;
	s6 =	simm.s32 @!p1 $0x1082;
	[sflag:s4] =	ssyncset.s32 $0xFFFFF086  }
0x25: {  	[simem:s6], [sflag:s4] =	dma.local [hbm:s3], $0xF7A  }
0x26: {  	[smem:$0x3F9F] =	sst s1;
	(tag) =	ssettag s2;
	_ =	strace s9  }
0x27: {  	s1 =	sld [smem:$0x3FAF]  }
0x28: {  	s2 =	sld [smem:$0x3FB0]  }
0x29: {  	s4 =	sld [smem:$0x3FB2]  }
0x2a: {  	p0 =	seq.s32 s5, $0x0;
	s5 =	sld [smem:$0x3FB3]  }
0x2b: {  	s6 =	sld [smem:$0x3FB4]  }
0x2c: {  	s7 =	sld [smem:$0x3FB5]  }
0x2d: {  	s3 =	simm.s32 $0x108;
	s8 =	sld [smem:$0x3FB6]  }
0x2e: {  	s3 =	simm.s32 @!p0 $0x1082;
	s9 =	sld [smem:$0x3FB7]  }
0x2f: {  	lr =	sadd.s32 s0, s3;
	s0 =	sld [smem:$0x3FAE]  }
0x30: {  	s3 =	sld [smem:$0x3FB1]  }
0x31: {  	[smem:$0x3FBA] =	sst s10  }
0x32: {  	s10 =	sld [smem:$0x3FB8];
	_ =	sdelay $0x3  }
0x33: {  	p0 =	seq.s32 s10, $0x1;
	s10 =	sld [smem:$0x3FBA];
	_ =	sdelay $0x3  }
0x34: {  	[smem:$0x3FBA] =	sst s10  }
0x35: {  	s10 =	sld [smem:$0x3FB9];
	_ =	sdelay $0x3  }
0x36: {  	p1 =	seq.s32 s10, $0x1;
	s10 =	sld [smem:$0x3FBA];
	_ =	sdelay $0x3  }
0x37: {  	[smem:$0x3FBA] =	sst s10  }
0x38: {  	s10 =	sld [smem:$0x3FBB]  }
0x39: {  	_ = 	snop;
	(pc) =	sbr.ind lr, $3  }
0x3a: {  	_ = 	snop  }
0x3b: {  	_ = 	snop  }
0x3c: {  	p2 =	seq.s32 s10, $0x1;
	s10 =	sld [smem:$0x3FBA]  }
0x3d: {  	_ =	shalt  }
0x3e: {  	_ =	shalt  }
0x3f: {  	_ =	shalt  }
0x40: {  	_ =	shalt  }
0x41: {  	_ =	shalt  }
0x42: {  	_ =	shalt  }
0x43: {  	_ =	shalt  }
0x44: {  	_ =	shalt  }
0x45: {  	_ =	shalt  }
0x46: {  	_ =	shalt  }
0x47: {  	_ =	shalt  }
0x48: {  	_ =	shalt  }
0x49: {  	_ =	shalt  }
0x4a: {  	_ =	shalt  }
0x4b: {  	_ =	shalt  }
0x4c: {  	_ =	shalt  }
0x4d: {  	_ =	shalt  }
0x4e: {  	_ =	shalt  }
0x4f: {  	_ =	shalt  }
0x50: {  	_ =	shalt  }
0x51: {  	_ =	shalt  }
0x52: {  	_ =	shalt  }
0x53: {  	_ =	shalt  }
0x54: {  	_ =	shalt  }
0x55: {  	_ =	shalt  }
0x56: {  	_ =	shalt  }
0x57: {  	_ =	shalt  }
0x58: {  	_ =	shalt  }
0x59: {  	_ =	shalt  }
0x5a: {  	_ =	shalt  }
0x5b: {  	_ =	shalt  }
0x5c: {  	_ =	shalt  }
0x5d: {  	_ =	shalt  }
0x5e: {  	_ =	shalt  }
0x5f: {  	_ =	shalt  }
0x60: {  	_ =	shalt  }
0x61: {  	_ =	shalt  }
0x62: {  	_ =	shalt  }
0x63: {  	_ =	shalt  }
0x64: {  	_ =	shalt  }
0x65: {  	_ =	shalt  }
0x66: {  	_ =	shalt  }
0x67: {  	_ =	shalt  }
0x68: {  	_ =	shalt  }
0x69: {  	_ =	shalt  }
0x6a: {  	_ =	shalt  }
0x6b: {  	_ =	shalt  }
0x6c: {  	_ =	shalt  }
0x6d: {  	_ =	shalt  }
0x6e: {  	_ =	shalt  }
0x6f: {  	_ =	shalt  }
0x70: {  	_ =	shalt  }
0x71: {  	_ =	shalt  }
0x72: {  	_ =	shalt  }
0x73: {  	_ =	shalt  }
0x74: {  	_ =	shalt  }
0x75: {  	_ =	shalt  }
0x76: {  	_ =	shalt  }
0x77: {  	_ =	shalt  }
0x78: {  	_ =	shalt  }
0x79: {  	_ =	shalt  }
0x7a: {  	_ =	shalt  }
0x7b: {  	_ =	shalt  }
0x7c: {  	_ =	shalt  }
0x7d: {  	_ =	shalt  }
0x7e: {  	_ =	shalt  }
0x7f: {  	_ =	shalt  }
0x80: {  	_ =	shalt  }
0x81: {  	_ =	shalt  }
0x82: {  	_ =	shalt  }
0x83: {  	_ =	shalt  }
0x84: {  	_ =	shalt  }
0x85: {  	_ =	shalt  }
0x86: {  	_ =	shalt  }
0x87: {  	_ =	shalt  }
.Lfunc_end0:
.L_simem_size_0:
called_computation_lowered:
.L_overlay_start_0:
0x88: {  	s2 =	sld [smem:$0x3FD9]  }
0x89: {  	s3 =	sld [smem:$0x3FFE];
	_ =	sdelay $0x1  }
0x8a: {  	s1 =	srdreg.scid  }
0x8b: {  	s0 =	sand.u32 $0x1, s1  }
0x8c: {  	s14 =	sshll.u32 s0, $0xA;
	s2 =	sadd.s32 s3, s2  }
0x8d: {  	s2 =	sadd.s32 s2, s14  }
0x8e: {  	[smem:$0x3FC6] =	sst s2  }
0x8f: {  	_ = 	snop  }
0x90: {  	s2 =	sld [smem:$0x3FD0];
	_ =	sdelay $0x2  }
0x91: {  	s4 =	simm.s32 $0xA;
	s5 =	simm.s32 $0x10;
	s15 =	sld [smem:$0x3FC8]  }
0x92: {  	[smem:s5], [sflag:s4] =	dma.local [hbm:s2], $0x1  }
0x93: {  	_ =	swait.eq [sflag:s4], $0x1  }
0x94: {  	[sflag:s4] =	ssyncset.done $0x0  }
0x95: {  	[sflag:s4] =	ssyncadd.s32 $0xFFFFFFFF  }
0x96: {  	s16 =	sld [smem:$0x11];
	(tm) =	ssettm $0x1  }
0x97: {  	s17 =	sld [smem:$0x3FFB];
	_ =	sdelay $0x3  }
0x98: {  	_ =	strace s17  }
0x99: {  	s4 =	sld [smem:$0x3FFC];
	_ =	sdelay $0x3  }
0x9a: {  	_ =	strace s4  }
0x9b: {  	s4 =	sld [smem:$0x3FFD];
	_ =	sdelay $0x3  }
0x9c: {  	_ =	strace s4  }
0x9d: {  	_ =	strace $0x8FFFFFFF  }
0x9e: {  	s18 =	sld [smem:$0x3FDB];
	_ =	sdelay $0x1  }
0x9f: {  	s19 =	simm.s32 $_scs_section_size  }
0xa0: {  	s6 =	simm.s32 $_size__tile_overlayer_lowered;
	s7 =	simm.s32 $_tile_overlayer_lowered  }
0xa1: {  	s22 =	simm.s32 $0x1BFF;
	s21 =	sshll.u32 s7, $0x1;
	s4 =	sadd.s32 s19, s18  }
0xa2: {  	s8 =	simm.s32 $0x0;
	s20 =	sshll.u32 s6, $0x1;
	s6 =	sadd.s32 s21, s4  }
0xa3: {  	[timem:s8], [sflag:s22] =	dma.local [hbm:s6], s20  }
0xa4: {  	_ =	swait.ge [sflag:s22], s20  }
0xa5: {  	s5 =	ssub.s32 $0x0, s20;
	[sflag:s22] =	ssyncset.done $0x0  }
0xa6: {  	[sflag:s22] =	ssyncadd.s32 s5;
	_ =	sdelay $0x1  }
0xa7: {  	s23 =	simm.s32 $0x1B8B  }
0xa8: {  	_ =	swait.ge [sflag:s23], $0x1  }
0xa9: {  	[sflag:s23] =	ssyncset.done $0x0  }
0xaa: {  	s25 =	simm.s32 $0x1B8E;
	s24 =	sld [smem:$0x3FFE];
	[sflag:s23] =	ssyncadd.s32 $0xFFFFFFFF  }
0xab: {  	s26 =	simm.s32 $execute0_lowered;
	[smem:$0x3FD2] =	sst s25  }
0xac: {  	s6 =	sshll.u32 s26, $0x1;
	_ =	strace $0x80000046;
	[dreg:$0x1] =	wrdreg $0xFFFFFFFF  }
0xad: {  	s28 =	simm.s32 $_size_execute0_lowered;
	s4 =	sadd.s32 s4, s6;
	[dreg:$0x0] =	wrdreg $0x0  }
0xae: {  	s6 =	sshll.u32 s28, $0x1;
	[dreg:$0x2] =	wrdreg s4  }
0xaf: {  	[dreg:$0x3] =	wrdreg s6  }
0xb0: {  	[dreg:$0x4] =	wrdreg $0xC0  }
0xb1: {  	_ =	task [dreg:s8], $0x5FFFF  }
0xb2: {  	[dreg:$0x1] =	wrdreg $0xFFFFFFFF  }
0xb3: {  	[dreg:$0x0] =	wrdreg $0x60  }
0xb4: {  	[dreg:$0x2] =	wrdreg s15  }
0xb5: {  	[dreg:$0x3] =	wrdreg s24  }
0xb6: {  	[dreg:$0x4] =	wrdreg s16  }
0xb7: {  	[dreg:$0x5] =	wrdreg $0x9  }
0xb8: {  	_ =	task.clear_ibuf [dreg:s8], $0x6FFFF;
	_ =	strace $0x90000046  }
0xb9: {  	s29 =	simm.s32 $0x9;
	_ =	strace $0x80000048  }
0xba: {  	_ =	swait.ge [sflag:s29], $0x1  }
0xbb: {  	[sflag:s29] =	ssyncadd.s32 $0xFFFFFFFF  }
0xbc: {  	_ =	strace $0x90000048  }
0xbd: {  	_ =	sfence  }
0xbe: {  	s30 =	sld [smem:$0x0];
	_ =	sdelay $0x2  }
0xbf: {  	s31 =	sshll.u32 s1, $0xD;
	s1 =	sshrl.u32 s1, $0x2  }
0xc0: {  	s3 =	sand.u32 $0x4000, s31;
	s1 =	sadd.s32 s1, s30  }
0xc1: {  	s0 =	sor.u32 s3, s0;
	s1 =	sshll.u32 s1, $0x11  }
0xc2: {  	s0 =	sor.u32 s1, s0  }
0xc3: {  	s0 =	sadd.s32 $0x8F2B, s0  }
0xc4: {  	[sflag:s0] =	ssyncadd.remote.s32 $0x1  }
0xc5: {  	_ =	sfence.sel $0xFFFF  }
0xc6: {  	[dreg:$0x0] =	wrdreg $0xFFFFFFFF;
	(pc) =	sbr.abs _section_cstart, $3  }
0xc7: {  	[dreg:$0x1] =	wrdreg $0xFFFFFFFF  }
0xc8: {  	_ =	task.clear_ibuf [dreg:s8], $0x2FFFF;
	_ =	strace $0x9FFFFFFF  }
0xc9: {  	(tm) =	ssettm $0x7FFFFFFF  }
tec
execute0_lowered:
.L_overlay_start_1:
0x0: {  	(tag) =	ssettag $0x1  }
0x1: {  	s0 =	srdreg.scid;
	s1 =	stileid.u32  }
0x2: {  	s0 =	sand.u32 $0x1, s0;
	s1 =	sshll.u32 s1, $0x1  }
0x3: {  	s1 =	sor.u32 s0, s1  }
0x4: {  	s3 =	rddreg [dreg:$0x0];
	s2 =	smul.u32 $0x600C, s1  }
0x5: {  	s7 =	rddreg [dreg:$0x1]  }
0x6: {  	s4 =	rddreg [dreg:$0x2];
	s1 =	smul.u32 $0x24, s1;
	s2 =	sshrl.u32 s2, $0x10  }
0x7: {  	s11 =	simm.s32 $0x200;
	s13 =	simm.s32 $0x8200;
	s5 =	smul.u32 $0x60, s2  }
0x8: {  	s14 =	simm.s32 $0xC200;
	s0 =	ssub.s32 $0x2, s0;
	s2 =	smul.u32 $0xC0, s2  }
0x9: {  	s31 =	sadd.s32 $0x600, s7;
	s6 =	sshrl.u32 s0, $0x1;
	s5 =	ssub.s32 s1, s5  }
0xa: {  	s0 =	ssub.s32 s0, s6;
	s2 =	sadd.s32 s5, s2;
	s5 =	simm.s32 $0x0  }
0xb: {  	s0 =	smax.u32 s0, $0x1;
	s2 =	sand.u32 $0xFFFC, s2;
	[smem:$0x7FF] =	sst s5  }
0xc: {  	s2 =	sshll.u32 s2, $0xB;
	_ =	strace $0x80000047;
	[dreg:$0x5] =	wrdreg s31  }
0xd: {  	s15 =	simm.s32 $0x1;
	[dreg:$0x7] =	wrdreg s0;
	s2 =	sadd.s32 s3, s2  }
0xe: {  	s16 =	simm.s32 $0x3;
	[dreg:$0x4] =	wrdreg s2;
	s2 =	sadd.s32 $0x30000, s2  }
0xf: {  	s17 =	simm.s32 $0x2;
	s18 =	simm.s32 $0x0;
	[dreg:$0x6] =	wrdreg s2  }
.LBB2_1:
0x10: {  	s0 =	rddreg [dreg:$0x5];
	s29 =	simm.s32 $0x4  }
0x11: {  	[tilespmem:s5], [sflag:$0x4] =	stream.linear.gather [hbm4b:s0+s5], $0x200, $0x38;
	[tilespmem:$0x18200] =	vst v63  }
0x12: {  	_ =	swait.ge [sflag:s29], $0x200  }
0x13: {  	[sflag:s29] =	ssyncset.done $0x0  }
0x14: {  	s30 =	rddreg [dreg:$0x4];
	[sflag:s29] =	ssyncadd.s32 $0xFFFFFE00  }
0x15: {  	[tilespmem:s11], [sflag:$0x1] =	stream.linear.gather [hbm4b:s30+s5], $0x4000, $0x38;
	[tilespmem:$0x18200] =	vst v63  }
0x16: {  	s2 =	simm.s32 $0x4200;
	s19 =	simm.s32 $0x0;
	s31 =	rddreg [dreg:$0x6]  }
0x17: {  	[tilespmem:s2], [sflag:$0x1] =	stream.linear.gather [hbm4b:s31+s5], $0x4000, $0x38;
	[tilespmem:$0x18200] =	vst v63  }
.LBB2_2:
0x18: {  	s0 =	sshll.u32 s19, $0x1  }
0x19: {  	s0 =	sadd.s32 s1, s0  }
0x1a: {  	s2 =	sor.u32 $0x1, s0  }
0x1b: {  	s7 =	smulhi.u32 $0x2AAAAAAB, s2  }
0x1c: {  	s8 =	smulhi.u32 $0x2AAAAAAB, s0  }
0x1d: {  	s7 =	sshrl.u32 s7, $0x4  }
0x1e: {  	s8 =	sshrl.u32 s8, $0x4;
	s7 =	smul.u32 $0x60, s7  }
0x1f: {  	s12 =	smul.u32 $0xC0, s8  }
0x20: {  	s2 =	ssub.s32 s2, s7  }
0x21: {  	s2 =	sadd.s32 s2, s12  }
0x22: {  	s29 =	sshll.u32 s2, $0xB;
	s2 =	sshll.u32 s2, $0xE  }
0x23: {  	s7 =	sand.u32 $0x1FFFF800, s29;
	s2 =	sadd.s32 $0x180000, s2  }
0x24: {  	s7 =	sadd.s32 s3, s7;
	s2 =	sshrl.u32 s2, $0x3  }
0x25: {  	[tilespmem:s13], [sflag:$0x2] =	stream.linear.gather [hbm4b:s7+s5], $0x4000, $0x38;
	[tilespmem:$0x18200] =	vst v63  }
0x26: {  	p0 =	seq.s32 s19, $0x0;
	s2 =	sadd.s32 s3, s2  }
0x27: {  	[tilespmem:s14], [sflag:$0x2] =	stream.linear.gather [hbm4b:s2+s5], $0x4000, $0x38;
	[tilespmem:$0x18200] =	vst v63  }
0x28: {  	s2 =	simm.s32 @!p0 $0x3  }
0x29: {  	_ =	swait.ge @!p0 [sflag:s2], $0x2000  }
0x2a: {  	[sflag:s2] =	ssyncset.done @!p0 $0x0  }
0x2b: {  	[sflag:s2] =	ssyncadd.s32 @!p0 $0xFFFFE000  }
0x2c: {  	_ =	swait.ge @!p0 [sflag:s2], $0x2000  }
0x2d: {  	[sflag:s2] =	ssyncset.done @!p0 $0x0  }
0x2e: {  	[sflag:s2] =	ssyncadd.s32 @!p0 $0xFFFFE000  }
0x2f: {  	_ =	swait.ge @!p0 [sflag:s2], $0x2000  }
0x30: {  	[sflag:s2] =	ssyncset.done @!p0 $0x0  }
0x31: {  	s30 =	smul.u32 $0x60, s8;
	[sflag:s2] =	ssyncadd.s32 @!p0 $0xFFFFE000  }
0x32: {  	_ =	swait.ge @!p0 [sflag:s2], $0x2000  }
0x33: {  	s0 =	ssub.s32 s0, s30;
	[sflag:s2] =	ssyncset.done @!p0 $0x0  }
0x34: {  	s7 =	smul.u32 $0x2B, s0;
	[sflag:s2] =	ssyncadd.s32 @!p0 $0xFFFFE000  }
0x35: {  	_ =	swait.ge [sflag:s15], $0x4000  }
0x36: {  	s20 =	sshrl.u32 s7, $0x9;
	[sflag:s15] =	ssyncset.done $0x0  }
0x37: {  	s22 =	sshllo.u32 s19, $0x1;
	s31 =	smul.u32 $0xC, s20;
	[sflag:s15] =	ssyncadd.s32 $0xFFFFC000  }
0x38: {  	s24 =	simm.s32 $0x0;
	s25 =	simm.s32 $0x10400;
	_ =	swait.ge [sflag:s15], $0x4000  }
0x39: {  	s26 =	simm.s32 $0x0;
	s0 =	ssub.s32 s0, s31;
	[sflag:s15] =	ssyncset.done $0x0  }
0x3a: {  	s23 =	sshll.u32 s8, $0x1;
	s21 =	sand.u32 $0xFF, s0;
	[sflag:s15] =	ssyncadd.s32 $0xFFFFC000  }
.LBB2_3:
0x3b: {  	s0 =	sshll.u32 s26, $0x7  }
0x3c: {  	s29 =	sand.u32 $0x3FFFFF80, s0  }
0x3d: {  	v13 =	vld [tilespmem:s29+$0x0]  }
0x3e: {  	v12 =	vld [tilespmem:s29+$0x10]  }
0x3f: {  	v11 =	vld [tilespmem:s29+$0x20]  }
0x40: {  	v10 =	vld [tilespmem:s29+$0x30]  }
0x41: {  	v9 =	vld [tilespmem:s29+$0x40]  }
0x42: {  	v14 =	vld [tilespmem:s29+$0x70]  }
0x43: {  	v8 =	vld [tilespmem:s29+$0x50]  }
0x44: {  	v7 =	vld [tilespmem:s29+$0x60]  }
0x45: {  	v3 =	vld [tilespmem:s29+$0x0]  }
0x46: {  	s2 =	simm.s32 $0x380;
	v2 =	vld [tilespmem:s29+$0x10];
	v15 =	vadd.s32 s24, v13  }
0x47: {  	v6 =	vld [tilespmem:s29+$0x20];
	v16 =	vadd.s32 s2, v14  }
0x48: {  	v1 =	vld [tilespmem:s29+$0x30];
	v17 =	vadd.s32 s24, v12  }
0x49: {  	v5 =	vld [tilespmem:s29+$0x40];
	v18 =	vadd.s32 s24, v11  }
0x4a: {  	v4 =	vld [tilespmem:s29+$0x50];
	v19 =	vadd.s32 s24, v10  }
0x4b: {  	v20 =	vadd.s32 s24, v9;
	v15 =	vld.idx.msk [tilespmem:v15+s11+$0x0], $0xffff  }
0x4c: {  	v21 =	vadd.s32 s24, v8;
	v16 =	vld.idx.msk [tilespmem:v16+s11+$0x0], $0xffff  }
0x4d: {  	s12 =	simm.s32 $0x80;
	v0 =	vadd.s32 s24, v7;
	v17 =	vld.idx.msk [tilespmem:v17+s11+$0x0], $0xffff  }
0x4e: {  	v23 =	vadd.s32 s12, v13;
	v18 =	vld.idx.msk [tilespmem:v18+s11+$0x0], $0xffff  }
0x4f: {  	v24 =	vadd.s32 s12, v12;
	v19 =	vld.idx.msk [tilespmem:v19+s11+$0x0], $0xffff  }
0x50: {  	v25 =	vadd.s32 s12, v11;
	v20 =	vld.idx.msk [tilespmem:v20+s11+$0x0], $0xffff  }
0x51: {  	s7 =	simm.s32 $0x100;
	v27 =	vadd.s32 s12, v10;
	v21 =	vld.idx.msk [tilespmem:v21+s11+$0x0], $0xffff  }
0x52: {  	v49 =	vadd.s32 s7, v11;
	v0 =	vld.idx.msk [tilespmem:v0+s11+$0x0], $0xffff  }
0x53: {  	s6 =	simm.s32 $0x180;
	v50 =	vadd.s32 s7, v10;
	v44 =	vld.idx.msk [tilespmem:v23+s11+$0x0], $0xffff;
	[tilespmem:s25+$0x1F0] =	vst v16  }
0x54: {  	v56 =	vadd.s32 s6, v13;
	v46 =	vld.idx.msk [tilespmem:v24+s11+$0x0], $0xffff;
	[tilespmem:s25+$0xFFFFFE00] =	vst v15  }
0x55: {  	v58 =	vadd.s32 s6, v12;
	v47 =	vld.idx.msk [tilespmem:v25+s11+$0x0], $0xffff;
	[tilespmem:s25+$0xFFFFFE10] =	vst v17  }
0x56: {  	v59 =	vadd.s32 s6, v11;
	v48 =	vld.idx.msk [tilespmem:v27+s11+$0x0], $0xffff;
	[tilespmem:s25+$0xFFFFFE20] =	vst v18  }
0x57: {  	v63 =	vadd.s32 s6, v7;
	v55 =	vld.idx.msk [tilespmem:v49+s11+$0x0], $0xffff;
	[tilespmem:s25+$0xFFFFFE30] =	vst v19  }
0x58: {  	s8 =	simm.s32 $0x200;
	v31 =	vadd.s32 s6, v14;
	v57 =	vld.idx.msk [tilespmem:v50+s11+$0x0], $0xffff;
	[tilespmem:s25+$0xFFFFFE40] =	vst v20  }
0x59: {  	v33 =	vadd.s32 s8, v13;
	v62 =	vld.idx.msk [tilespmem:v56+s11+$0x0], $0xffff;
	[tilespmem:s25+$0xFFFFFE50] =	vst v21  }
0x5a: {  	v22 =	vadd.s32 s24, v14;
	v30 =	vld.idx.msk [tilespmem:v58+s11+$0x0], $0xffff;
	[tilespmem:s25+$0xFFFFFE60] =	vst v0  }
0x5b: {  	v42 =	vadd.s32 s12, v9;
	v32 =	vld.idx.msk [tilespmem:v59+s11+$0x0], $0xffff;
	[tilespmem:s25+$0xFFFFFE80] =	vst v44  }
0x5c: {  	v43 =	vadd.s32 s12, v8;
	v35 =	vld.idx.msk [tilespmem:v63+s11+$0x0], $0xffff;
	[tilespmem:s25+$0xFFFFFE90] =	vst v46  }
0x5d: {  	v24 =	vadd.s32 s12, v14;
	v37 =	vld.idx.msk [tilespmem:v31+s11+$0x0], $0xffff;
	[tilespmem:s25+$0xFFFFFEA0] =	vst v47  }
0x5e: {  	v25 =	vadd.s32 s7, v13;
	v39 =	vld.idx.msk [tilespmem:v33+s11+$0x0], $0xffff;
	[tilespmem:s25+$0xFFFFFEB0] =	vst v48  }
0x5f: {  	v45 =	vadd.s32 s12, v7;
	v15 =	vld.idx.msk [tilespmem:v22+s11+$0x0], $0xffff;
	[tilespmem:s25+$0xFFFFFF20] =	vst v55  }
0x60: {  	v27 =	vadd.s32 s7, v12;
	v16 =	vld.idx.msk [tilespmem:v42+s11+$0x0], $0xffff;
	[tilespmem:s25+$0xFFFFFF30] =	vst v57  }
0x61: {  	v36 =	vadd.s32 s8, v9;
	v0 =	vld.idx.msk [tilespmem:v43+s11+$0x0], $0xffff;
	[tilespmem:s25+$0xFFFFFF80] =	vst v62  }
0x62: {  	v38 =	vadd.s32 s8, v8;
	v52 =	vld.idx.msk [tilespmem:v24+s11+$0x0], $0xffff;
	[tilespmem:s25+$0xFFFFFF90] =	vst v30  }
0x63: {  	v51 =	vadd.s32 s7, v9;
	v53 =	vld.idx.msk [tilespmem:v25+s11+$0x0], $0xffff;
	[tilespmem:s25+$0xFFFFFFA0] =	vst v32  }
0x64: {  	v24 =	vadd.s32 s7, v8;
	[tilespmem:s25+$0xFFFFFE70] =	vst v15;
	v15 =	vld.idx.msk [tilespmem:v45+s11+$0x0], $0xffff  }
0x65: {  	v25 =	vadd.s32 s7, v7;
	v54 =	vld.idx.msk [tilespmem:v27+s11+$0x0], $0xffff;
	[tilespmem:s25+$0xFFFFFFE0] =	vst v35  }
0x66: {  	v27 =	vadd.s32 s7, v14;
	v42 =	vld.idx.msk [tilespmem:v36+s11+$0x0], $0xffff;
	[tilespmem:s25+$0xFFFFFFF0] =	vst v37  }
0x67: {  	s10 =	simm.s32 $0x300;
	v40 =	vadd.s32 s8, v7;
	v44 =	vld.idx.msk [tilespmem:v38+s11+$0x0], $0xffff;
	[tilespmem:s25+$0x0] =	vst v39  }
0x68: {  	v50 =	vadd.s32 s10, v13;
	[tilespmem:s25+$0xFFFFFED0] =	vst v0;
	v0 =	vld.idx.msk [tilespmem:v51+s11+$0x0], $0xffff  }
0x69: {  	[tilespmem:s25+$0xFFFFFEE0] =	vst v15;
	v15 =	vld.idx.msk [tilespmem:v24+s11+$0x0], $0xffff;
	v24 =	vadd.s32 s6, v10  }
0x6a: {  	[tilespmem:s25+$0xFFFFFEC0] =	vst v16;
	v60 =	vld.idx.msk [tilespmem:v25+s11+$0x0], $0xffff;
	v25 =	vadd.s32 s6, v9  }
0x6b: {  	[tilespmem:s25+$0xFFFFFEF0] =	vst v52;
	v61 =	vld.idx.msk [tilespmem:v27+s11+$0x0], $0xffff;
	v27 =	vadd.s32 s6, v8  }
0x6c: {  	s9 =	simm.s32 $0x280;
	v46 =	vld.idx.msk [tilespmem:v40+s11+$0x0], $0xffff;
	[tilespmem:s25+$0xFFFFFF00] =	vst v53  }
0x6d: {  	v47 =	vadd.s32 s9, v9;
	v21 =	vld.idx.msk [tilespmem:v50+s11+$0x0], $0xffff;
	[tilespmem:s25+$0xFFFFFF10] =	vst v54  }
0x6e: {  	[tilespmem:s25+$0xFFFFFF40] =	vst v0;
	v0 =	vld.idx.msk [tilespmem:v24+s11+$0x0], $0xffff;
	v24 =	vadd.s32 s8, v12  }
0x6f: {  	[tilespmem:s25+$0xFFFFFF50] =	vst v15;
	v15 =	vld.idx.msk [tilespmem:v25+s11+$0x0], $0xffff;
	v25 =	vadd.s32 s8, v11  }
0x70: {  	[tilespmem:s25+$0x40] =	vst v42;
	v34 =	vld.idx.msk [tilespmem:v27+s11+$0x0], $0xffff;
	v27 =	vadd.s32 s8, v10  }
0x71: {  	v26 =	vld [tilespmem:s29+$0x60];
	v45 =	vadd.s32 s9, v10;
	[tilespmem:s25+$0x50] =	vst v44  }
0x72: {  	v53 =	vld.idx.msk [tilespmem:v47+s11+$0x0], $0xffff;
	v54 =	vadd.s32 s10, v11;
	[tilespmem:s25+$0x60] =	vst v46  }
0x73: {  	[tilespmem:s25+$0x100] =	vst v21;
	v41 =	vld.idx.msk [tilespmem:v24+s11+$0x0], $0xffff;
	v24 =	vadd.s32 s8, v14  }
0x74: {  	[tilespmem:s25+$0xFFFFFFB0] =	vst v0;
	v0 =	vld.idx.msk [tilespmem:v25+s11+$0x0], $0xffff;
	v25 =	vadd.s32 s9, v13  }
0x75: {  	[tilespmem:s25+$0xFFFFFFC0] =	vst v15;
	v15 =	vld.idx.msk [tilespmem:v27+s11+$0x0], $0xffff;
	v27 =	vadd.s32 s9, v12  }
0x76: {  	v43 =	vadd.s32 s9, v11;
	[tilespmem:s25+$0xFFFFFF60] =	vst v60;
	v51 =	vld.idx.msk [tilespmem:v45+s11+$0x0], $0xffff  }
0x77: {  	[tilespmem:s25+$0xFFFFFF70] =	vst v61;
	v58 =	vld.idx.msk [tilespmem:v54+s11+$0x0], $0xffff;
	v13 =	vadd.s32 s2, v13  }
0x78: {  	v52 =	vadd.s32 s10, v12;
	[tilespmem:s25+$0xC0] =	vst v53;
	v12 =	vadd.s32 s2, v12;
	v48 =	vld.idx.msk [tilespmem:v24+s11+$0x0], $0xffff  }
0x79: {  	[tilespmem:s25+$0xFFFFFFD0] =	vst v34;
	v24 =	vadd.s32 s9, v8;
	v49 =	vld.idx.msk [tilespmem:v25+s11+$0x0], $0xffff  }
0x7a: {  	v25 =	vadd.s32 s9, v7;
	[tilespmem:s25+$0x20] =	vst v0;
	v0 =	vld.idx.msk [tilespmem:v27+s11+$0x0], $0xffff  }
0x7b: {  	v27 =	vadd.s32 s9, v14;
	[tilespmem:s25+$0x30] =	vst v15;
	v15 =	vld.idx.msk [tilespmem:v43+s11+$0x0], $0xffff  }
0x7c: {  	[tilespmem:s25+$0xB0] =	vst v51;
	v13 =	vld.idx.msk [tilespmem:v13+s11+$0x0], $0xffff  }
0x7d: {  	[tilespmem:s25+$0x120] =	vst v58;
	v14 =	vadd.s32 s10, v14;
	v12 =	vld.idx.msk [tilespmem:v12+s11+$0x0], $0xffff  }
0x7e: {  	v11 =	vadd.s32 s2, v11;
	[tilespmem:s25+$0x10] =	vst v41;
	v55 =	vld.idx.msk [tilespmem:v24+s11+$0x0], $0xffff  }
0x7f: {  	v24 =	vadd.s32 s10, v10;
	[tilespmem:s25+$0x70] =	vst v48;
	v56 =	vld.idx.msk [tilespmem:v25+s11+$0x0], $0xffff  }
0x80: {  	v25 =	vadd.s32 s10, v9;
	[tilespmem:s25+$0x80] =	vst v49;
	v57 =	vld.idx.msk [tilespmem:v27+s11+$0x0], $0xffff  }
0x81: {  	v27 =	vadd.s32 s10, v8;
	[tilespmem:s25+$0xA0] =	vst v15;
	v15 =	vld.idx.msk [tilespmem:v52+s11+$0x0], $0xffff  }
0x82: {  	[tilespmem:s25+$0x90] =	vst v0;
	v0 =	vadd.s32 s10, v7;
	v63 =	vld.idx.msk [tilespmem:v14+s11+$0x0], $0xffff  }
0x83: {  	v10 =	vadd.s32 s2, v10;
	v14 =	vld.idx.msk [tilespmem:v11+s11+$0x0], $0xffff;
	[tilespmem:s25+$0x180] =	vst v13  }
0x84: {  	v9 =	vadd.s32 s2, v9;
	v59 =	vld.idx.msk [tilespmem:v24+s11+$0x0], $0xffff;
	[tilespmem:s25+$0xD0] =	vst v55  }
0x85: {  	v8 =	vadd.s32 s2, v8;
	v60 =	vld.idx.msk [tilespmem:v25+s11+$0x0], $0xffff;
	[tilespmem:s25+$0xE0] =	vst v56  }
0x86: {  	v61 =	vld.idx.msk [tilespmem:v27+s11+$0x0], $0xffff;
	[tilespmem:s25+$0xF0] =	vst v57  }
0x87: {  	v62 =	vld.idx.msk [tilespmem:v0+s11+$0x0], $0xffff;
	[tilespmem:s25+$0x110] =	vst v15;
	v15 =	vadd.s32 s2, v7  }
0x88: {  	v11 =	vld.idx.msk [tilespmem:v10+s11+$0x0], $0xffff;
	[tilespmem:s25+$0x170] =	vst v63  }
0x89: {  	v10 =	vld.idx.msk [tilespmem:v9+s11+$0x0], $0xffff;
	[tilespmem:s25+$0x130] =	vst v59  }
0x8a: {  	s12 =	sshll.u32 s26, $0xD;
	v9 =	vld.idx.msk [tilespmem:v8+s11+$0x0], $0xffff;
	[tilespmem:s25+$0x140] =	vst v60  }
0x8b: {  	s31 =	simm.s32 $0x40;
	s0 =	sand.u32 $0x3FFFE000, s12;
	v7 =	vld [tilespmem:s29+$0x70];
	[tilespmem:s25+$0x150] =	vst v61  }
0x8c: {  	s30 =	smov.u32 s25;
	s28 =	sadd.s32 $0x10200, s0;
	s2 =	simm.s32 $0x0;
	[tilespmem:s25+$0x160] =	vst v62;
	v8 =	vld.idx.msk [tilespmem:v15+s11+$0x0], $0xffff  }
.LBB2_4:
0x8d: {  	v13 =	vld [tilespmem:s29+$0x0]  }
0x8e: {  	v28 =	vld [tilespmem:s29+$0x10];
	s2 =	sadd.s32 $0x800, s2  }
0x8f: {  	v29 =	vld [tilespmem:s29+$0x20];
	v15 =	vadd.s32 s2, v6  }
0x90: {  	v30 =	vld [tilespmem:s29+$0x30];
	v16 =	vadd.s32 s2, v5  }
0x91: {  	v31 =	vld [tilespmem:s29+$0x40];
	s9 =	sadd.s32 $0x80, s2;
	v18 =	vadd.s32 s2, v26  }
0x92: {  	v32 =	vld [tilespmem:s29+$0x50];
	v20 =	vadd.s32 s9, v2  }
0x93: {  	v33 =	vld [tilespmem:s29+$0x60];
	v21 =	vadd.s32 s9, v6  }
0x94: {  	v34 =	vadd.s32 s9, v5;
	v15 =	vld.idx.msk [tilespmem:v15+s11+$0x0], $0xffff  }
0x95: {  	s6 =	sadd.s32 $0x100, s2;
	v35 =	vadd.s32 s9, v4;
	[tilespmem:s30+$0x190] =	vst v12;
	v16 =	vld.idx.msk [tilespmem:v16+s11+$0x0], $0xffff  }
0x96: {  	v39 =	vadd.s32 s6, v2;
	[tilespmem:s30+$0x1A0] =	vst v14;
	v57 =	vld.idx.msk [tilespmem:v18+s11+$0x0], $0xffff  }
0x97: {  	s10 =	sadd.s32 $0x180, s2;
	v40 =	vadd.s32 s6, v6;
	[tilespmem:s30+$0x1B0] =	vst v11;
	v0 =	vld.idx.msk [tilespmem:v20+s11+$0x0], $0xffff  }
0x98: {  	v43 =	vadd.s32 s6, v4;
	v46 =	vadd.s32 s10, v3;
	[tilespmem:s30+$0x1C0] =	vst v10;
	v22 =	vld.idx.msk [tilespmem:v21+s11+$0x0], $0xffff  }
0x99: {  	s8 =	sadd.s32 $0x200, s2;
	s12 =	sadd.s32 $0x300, s2;
	v47 =	vadd.s32 s10, v2;
	v48 =	vadd.s32 s10, v6;
	v50 =	vadd.s32 s10, v5;
	[tilespmem:s30+$0x1D0] =	vst v9;
	v24 =	vld.idx.msk [tilespmem:v34+s11+$0x0], $0xffff  }
0x9a: {  	s0 =	sadd.s32 $0x380, s2;
	s7 =	sadd.s32 $0x280, s2;
	v56 =	vadd.s32 s8, v6;
	[tilespmem:s30+$0x1E0] =	vst v8;
	v20 =	vadd.s32 s12, v2;
	v25 =	vld.idx.msk [tilespmem:v35+s11+$0x0], $0xffff  }
0x9b: {  	v27 =	vadd.s32 s7, v6;
	v39 =	vld.idx.msk [tilespmem:v39+s11+$0x0], $0xffff;
	[tilespmem:$0x1FFE0] =	vst v20;
	v20 =	vadd.s32 s12, v6;
	v6 =	vadd.s32 s0, v6  }
0x9c: {  	v54 =	vadd.s32 s8, v3;
	s30 =	sadd.s32 $0x400, s30;
	v40 =	vld.idx.msk [tilespmem:v40+s11+$0x0], $0xffff;
	[tilespmem:$0x1FFF0] =	vst v6  }
0x9d: {  	v12 =	vadd.s32 s2, v3;
	v43 =	vld.idx.msk [tilespmem:v43+s11+$0x0], $0xffff;
	[tilespmem:s30+$0xFFFFFE20] =	vst v15  }
0x9e: {  	v17 =	vadd.s32 s0, v7;
	v46 =	vld.idx.msk [tilespmem:v46+s11+$0x0], $0xffff;
	[tilespmem:s30+$0xFFFFFE40] =	vst v16  }
0x9f: {  	v14 =	vadd.s32 s2, v2;
	v47 =	vld.idx.msk [tilespmem:v47+s11+$0x0], $0xffff;
	[tilespmem:s30+$0xFFFFFE60] =	vst v57  }
0xa0: {  	v11 =	vadd.s32 s2, v1;
	v50 =	vld.idx.msk [tilespmem:v50+s11+$0x0], $0xffff;
	[tilespmem:s30+$0xFFFFFE90] =	vst v0  }
0xa1: {  	v10 =	vadd.s32 s2, v4;
	v54 =	vld.idx.msk [tilespmem:v54+s11+$0x0], $0xffff;
	[tilespmem:s30+$0xFFFFFEA0] =	vst v22  }
0xa2: {  	v19 =	vadd.s32 s2, v7;
	v12 =	vld.idx.msk [tilespmem:v12+s11+$0x0], $0xffff;
	[tilespmem:s30+$0xFFFFFEC0] =	vst v24  }
0xa3: {  	v9 =	vadd.s32 s9, v3;
	v17 =	vld.idx.msk [tilespmem:v17+s11+$0x0], $0xffff;
	[tilespmem:s30+$0xFFFFFED0] =	vst v25  }
0xa4: {  	v8 =	vadd.s32 s9, v1;
	v14 =	vld.idx.msk [tilespmem:v14+s11+$0x0], $0xffff;
	[tilespmem:s30+$0xFFFFFF10] =	vst v39  }
0xa5: {  	v53 =	vadd.s32 s10, v7;
	v11 =	vld.idx.msk [tilespmem:v11+s11+$0x0], $0xffff;
	[tilespmem:s30+$0xFFFFFF20] =	vst v40  }
0xa6: {  	v38 =	vadd.s32 s6, v3;
	v10 =	vld.idx.msk [tilespmem:v10+s11+$0x0], $0xffff;
	[tilespmem:s30+$0xFFFFFF50] =	vst v43  }
0xa7: {  	v41 =	vadd.s32 s6, v1;
	v61 =	vld.idx.msk [tilespmem:v19+s11+$0x0], $0xffff;
	[tilespmem:s30+$0xFFFFFF80] =	vst v46  }
0xa8: {  	v42 =	vadd.s32 s6, v5;
	v9 =	vld.idx.msk [tilespmem:v9+s11+$0x0], $0xffff;
	[tilespmem:s30+$0xFFFFFF90] =	vst v47  }
0xa9: {  	v37 =	vadd.s32 s9, v7;
	v23 =	vld.idx.msk [tilespmem:v8+s11+$0x0], $0xffff;
	[tilespmem:s30+$0xFFFFFFC0] =	vst v50  }
0xaa: {  	v36 =	vadd.s32 s9, v26;
	v53 =	vld.idx.msk [tilespmem:v53+s11+$0x0], $0xffff;
	[tilespmem:s30+$0x0] =	vst v54  }
0xab: {  	v45 =	vadd.s32 s6, v7;
	v0 =	vld.idx.msk [tilespmem:v38+s11+$0x0], $0xffff;
	[tilespmem:s30+$0xFFFFFE00] =	vst v12  }
0xac: {  	v24 =	vld.idx.msk [tilespmem:v41+s11+$0x0], $0xffff;
	[tilespmem:s30+$0xFFFFFE10] =	vst v14  }
0xad: {  	v49 =	vadd.s32 s10, v1;
	v25 =	vld.idx.msk [tilespmem:v42+s11+$0x0], $0xffff;
	[tilespmem:s30+$0xFFFFFE30] =	vst v11  }
0xae: {  	v44 =	vadd.s32 s6, v26;
	v55 =	vadd.s32 s8, v2;
	[tilespmem:s30+$0xFFFFFE80] =	vst v9;
	v9 =	vld.idx.msk [tilespmem:v37+s11+$0x0], $0xffff  }
0xaf: {  	v35 =	vadd.s32 s0, v2;
	v12 =	vadd.s32 s7, v3;
	v14 =	vadd.s32 s7, v2;
	[tilespmem:s30+$0xFFFFFE50] =	vst v10;
	v2 =	vmovc v28;
	v28 =	vld.idx.msk [tilespmem:v36+s11+$0x0], $0xffff  }
0xb0: {  	[tilespmem:s30+$0xFFFFFF00] =	vst v0;
	v0 =	vld.idx.msk [tilespmem:v45+s11+$0x0], $0xffff  }
0xb1: {  	v11 =	vadd.s32 s7, v7;
	[tilespmem:s30+$0xFFFFFF30] =	vst v24;
	v24 =	vld.idx.msk [tilespmem:v48+s11+$0x0], $0xffff  }
0xb2: {  	v10 =	vadd.s32 s12, v4;
	[tilespmem:s30+$0xFFFFFF40] =	vst v25;
	v25 =	vld.idx.msk [tilespmem:v49+s11+$0x0], $0xffff  }
0xb3: {  	v52 =	vadd.s32 s10, v26;
	[tilespmem:s30+$0xFFFFFEF0] =	vst v9;
	v9 =	vld.idx.msk [tilespmem:v44+s11+$0x0], $0xffff  }
0xb4: {  	[tilespmem:s30+$0x1F0] =	vst v17;
	v12 =	vld.idx.msk [tilespmem:v12+s11+$0x0], $0xffff  }
0xb5: {  	[tilespmem:s30+$0xFFFFFE70] =	vst v61;
	v14 =	vld.idx.msk [tilespmem:v14+s11+$0x0], $0xffff  }
0xb6: {  	v58 =	vadd.s32 s8, v1;
	[tilespmem:s30+$0xFFFFFEB0] =	vst v23;
	v11 =	vld.idx.msk [tilespmem:v11+s11+$0x0], $0xffff  }
0xb7: {  	v62 =	vadd.s32 s8, v26;
	[tilespmem:s30+$0xFFFFFFF0] =	vst v53;
	v10 =	vld.idx.msk [tilespmem:v10+s11+$0x0], $0xffff  }
0xb8: {  	v63 =	vadd.s32 s8, v7;
	v7 =	vadd.s32 s12, v7;
	[tilespmem:s30+$0xFFFFFF70] =	vst v0;
	v0 =	vld.idx.msk [tilespmem:v52+s11+$0x0], $0xffff  }
0xb9: {  	[tilespmem:s30+$0xFFFFFFA0] =	vst v24;
	v24 =	vld.idx.msk [tilespmem:v55+s11+$0x0], $0xffff  }
0xba: {  	v60 =	vadd.s32 s8, v4;
	[tilespmem:s30+$0xFFFFFFB0] =	vst v25;
	v25 =	vld.idx.msk [tilespmem:v56+s11+$0x0], $0xffff  }
0xbb: {  	v51 =	vadd.s32 s10, v4;
	[tilespmem:s30+$0xFFFFFEE0] =	vst v28;
	v56 =	vld.idx.msk [tilespmem:v58+s11+$0x0], $0xffff  }
0xbc: {  	v21 =	vadd.s32 s12, v3;
	v58 =	vld.idx.msk [tilespmem:v62+s11+$0x0], $0xffff;
	[tilespmem:s30+$0xFFFFFF60] =	vst v9  }
0xbd: {  	v62 =	vld.idx.msk [tilespmem:v7+s11+$0x0], $0xffff;
	[tilespmem:s30+$0x80] =	vst v12  }
0xbe: {  	v57 =	vadd.s32 s0, v3;
	v3 =	vmov v13;
	v13 =	vadd.s32 s0, v1;
	v7 =	vld [tilespmem:s29+$0x70];
	[tilespmem:s30+$0x90] =	vst v14  }
0xbf: {  	v15 =	vadd.s32 s7, v5;
	[tilespmem:s30+$0xFFFFFFE0] =	vst v0;
	v0 =	vld.idx.msk [tilespmem:v60+s11+$0x0], $0xffff  }
0xc0: {  	v9 =	vld.idx.msk [tilespmem:v51+s11+$0x0], $0xffff;
	[tilespmem:s30+$0xF0] =	vst v11  }
0xc1: {  	v59 =	vadd.s32 s8, v5;
	v12 =	vld.idx.msk [tilespmem:v21+s11+$0x0], $0xffff;
	[tilespmem:s30+$0x150] =	vst v10  }
0xc2: {  	v19 =	vadd.s32 s7, v26;
	v14 =	vld [tilespmem:$0x1FFE0];
	[tilespmem:s30+$0x10] =	vst v24  }
0xc3: {  	v11 =	vld.idx.msk [tilespmem:v13+s11+$0x0], $0xffff;
	[tilespmem:s30+$0x20] =	vst v25  }
0xc4: {  	v8 =	vadd.s32 s12, v1;
	[tilespmem:s30+$0x50] =	vst v0;
	v0 =	vld.idx.msk [tilespmem:v15+s11+$0x0], $0xffff  }
0xc5: {  	[tilespmem:s30+$0x30] =	vst v56;
	v24 =	vld.idx.msk [tilespmem:v27+s11+$0x0], $0xffff  }
0xc6: {  	v17 =	vadd.s32 s7, v1;
	[tilespmem:s30+$0xFFFFFFD0] =	vst v9;
	v9 =	vld.idx.msk [tilespmem:v59+s11+$0x0], $0xffff  }
0xc7: {  	v18 =	vadd.s32 s7, v4;
	[tilespmem:s30+$0x60] =	vst v58;
	v60 =	vld.idx.msk [tilespmem:v19+s11+$0x0], $0xffff  }
0xc8: {  	[tilespmem:s30+$0x170] =	vst v62;
	v59 =	vld.idx.msk [tilespmem:v63+s11+$0x0], $0xffff  }
0xc9: {  	[tilespmem:s30+$0xC0] =	vst v0;
	v0 =	vld.idx.msk [tilespmem:v8+s11+$0x0], $0xffff  }
0xca: {  	v16 =	vadd.s32 s12, v5;
	[tilespmem:s30+$0x100] =	vst v12;
	v63 =	vld.idx.msk [tilespmem:v57+s11+$0x0], $0xffff  }
0xcb: {  	[tilespmem:s30+$0x40] =	vst v9;
	v9 =	vld.idx.msk [tilespmem:v17+s11+$0x0], $0xffff  }
0xcc: {  	v34 =	vadd.s32 s12, v26;
	v15 =	vld.idx.msk [tilespmem:v18+s11+$0x0], $0xffff;
	[tilespmem:s30+$0xA0] =	vst v24  }
0xcd: {  	v61 =	vadd.s32 s0, v5;
	v14 =	vld.idx.msk [tilespmem:v14+s11+$0x0], $0xffff;
	[tilespmem:s30+$0xE0] =	vst v60  }
0xce: {  	[tilespmem:s30+$0x130] =	vst v0;
	v0 =	vld [tilespmem:$0x1FFF0]  }
0xcf: {  	v37 =	vadd.s32 s0, v26;
	[tilespmem:s30+$0x70] =	vst v59;
	v8 =	vld.idx.msk [tilespmem:v16+s11+$0x0], $0xffff  }
0xd0: {  	s31 =	sadd.s32 $0x40, s31;
	v36 =	vadd.s32 s0, v4;
	[tilespmem:s30+$0xB0] =	vst v9;
	v9 =	vld.idx.msk [tilespmem:v20+s11+$0x0], $0xffff  }
0xd1: {  	p0 =	slt.u32 s31, $0x1C0;
	[tilespmem:s30+$0xD0] =	vst v15;
	v15 =	vld.idx.msk [tilespmem:v34+s11+$0x0], $0xffff  }
.Ltmp0:
0xd2: {  	v10 =	vld.idx.msk [tilespmem:v61+s11+$0x0], $0xffff;
	[tilespmem:s30+$0x180] =	vst v63;
	(pc) =	sbr.rel @p0 .LBB2_4-.Ltmp0, $4  }
0xd3: {  	v12 =	vld.idx.msk [tilespmem:v35+s11+$0x0], $0xffff;
	[tilespmem:s30+$0x110] =	vst v14  }
0xd4: {  	[tilespmem:s30+$0x140] =	vst v8;
	v8 =	vld.idx.msk [tilespmem:v37+s11+$0x0], $0xffff  }
0xd5: {  	[tilespmem:s30+$0x120] =	vst v9;
	v9 =	vld.idx.msk [tilespmem:v36+s11+$0x0], $0xffff  }
0xd6: {  	v6 =	vmovc v29;
	v1 =	vmovc v30;
	v5 =	vmov v31;
	v4 =	vmov v32;
	v26 =	vmov v33;
	[tilespmem:s30+$0x160] =	vst v15;
	v14 =	vld.idx.msk [tilespmem:v0+s11+$0x0], $0xffff  }
0xd7: {  	s31 =	sadd.s32 $0x800, s2  }
0xd8: {  	v13 =	vadd.s32 s31, v3  }
0xd9: {  	v15 =	vadd.s32 s31, v2  }
0xda: {  	v16 =	vadd.s32 s31, v6  }
0xdb: {  	v41 =	vadd.s32 s31, v1  }
0xdc: {  	[tilespmem:s30+$0x1B0] =	vst v11;
	v42 =	vadd.s32 s31, v5  }
0xdd: {  	[tilespmem:s30+$0x1C0] =	vst v10;
	v43 =	vadd.s32 s31, v4;
	v13 =	vld.idx.msk [tilespmem:v13+s11+$0x0], $0xffff  }
0xde: {  	[tilespmem:s30+$0x190] =	vst v12;
	v44 =	vadd.s32 s31, v26;
	v15 =	vld.idx.msk [tilespmem:v15+s11+$0x0], $0xffff  }
0xdf: {  	s29 =	sadd.s32 $0x380, s31;
	v17 =	vadd.s32 s31, v7;
	[tilespmem:s30+$0x1E0] =	vst v8;
	v45 =	vld.idx.msk [tilespmem:v16+s11+$0x0], $0xffff  }
0xe0: {  	s0 =	sadd.s32 $0x80, s31;
	v0 =	vadd.s32 s29, v7;
	[tilespmem:s30+$0x1D0] =	vst v9;
	v47 =	vld.idx.msk [tilespmem:v41+s11+$0x0], $0xffff  }
0xe1: {  	s7 =	sadd.s32 $0x400, s30;
	v46 =	vadd.s32 s0, v3;
	[tilespmem:s30+$0x1A0] =	vst v14;
	v14 =	vld.idx.msk [tilespmem:v42+s11+$0x0], $0xffff  }
0xe2: {  	v48 =	vadd.s32 s0, v2;
	v11 =	vld.idx.msk [tilespmem:v43+s11+$0x0], $0xffff;
	[tilespmem:s7+$0xFFFFFE00] =	vst v13  }
0xe3: {  	v52 =	vadd.s32 s0, v4;
	v10 =	vld.idx.msk [tilespmem:v44+s11+$0x0], $0xffff;
	[tilespmem:s7+$0xFFFFFE10] =	vst v15  }
0xe4: {  	v53 =	vadd.s32 s0, v26;
	v17 =	vld.idx.msk [tilespmem:v17+s11+$0x0], $0xffff;
	[tilespmem:s7+$0xFFFFFE20] =	vst v45  }
0xe5: {  	v50 =	vadd.s32 s0, v1;
	v0 =	vld.idx.msk [tilespmem:v0+s11+$0x0], $0xffff;
	[tilespmem:s7+$0xFFFFFE30] =	vst v47  }
0xe6: {  	v51 =	vadd.s32 s0, v5;
	v16 =	vld.idx.msk [tilespmem:v46+s11+$0x0], $0xffff;
	[tilespmem:s7+$0xFFFFFE40] =	vst v14  }
0xe7: {  	s6 =	sadd.s32 $0x100, s31;
	v54 =	vadd.s32 s0, v7;
	v12 =	vld.idx.msk [tilespmem:v48+s11+$0x0], $0xffff;
	[tilespmem:s7+$0xFFFFFE50] =	vst v11  }
0xe8: {  	v55 =	vadd.s32 s6, v3;
	v9 =	vld.idx.msk [tilespmem:v52+s11+$0x0], $0xffff;
	[tilespmem:s7+$0xFFFFFE60] =	vst v10  }
0xe9: {  	v56 =	vadd.s32 s6, v2;
	v8 =	vld.idx.msk [tilespmem:v53+s11+$0x0], $0xffff;
	[tilespmem:s7+$0xFFFFFE70] =	vst v17  }
0xea: {  	v57 =	vadd.s32 s6, v6;
	v13 =	vld.idx.msk [tilespmem:v50+s11+$0x0], $0xffff;
	[tilespmem:s7+$0x1F0] =	vst v0  }
0xeb: {  	v49 =	vadd.s32 s0, v6;
	v15 =	vld.idx.msk [tilespmem:v51+s11+$0x0], $0xffff;
	[tilespmem:s7+$0xFFFFFE80] =	vst v16  }
0xec: {  	v58 =	vadd.s32 s6, v1;
	v14 =	vld.idx.msk [tilespmem:v54+s11+$0x0], $0xffff;
	[tilespmem:s7+$0xFFFFFE90] =	vst v12  }
0xed: {  	s8 =	sadd.s32 $0x180, s31;
	v59 =	vadd.s32 s6, v5;
	v11 =	vld.idx.msk [tilespmem:v55+s11+$0x0], $0xffff;
	[tilespmem:s7+$0xFFFFFED0] =	vst v9  }
0xee: {  	v63 =	vadd.s32 s8, v3;
	v10 =	vld.idx.msk [tilespmem:v56+s11+$0x0], $0xffff;
	[tilespmem:s7+$0xFFFFFEE0] =	vst v8  }
0xef: {  	s12 =	sadd.s32 $0x300, s31;
	v20 =	vadd.s32 s8, v2;
	v17 =	vld.idx.msk [tilespmem:v57+s11+$0x0], $0xffff;
	[tilespmem:s7+$0xFFFFFEB0] =	vst v13  }
0xf0: {  	v48 =	vadd.s32 s12, v5;
	v0 =	vld.idx.msk [tilespmem:v49+s11+$0x0], $0xffff;
	[tilespmem:s7+$0xFFFFFEC0] =	vst v15  }
0xf1: {  	v52 =	vadd.s32 s29, v3;
	v16 =	vld.idx.msk [tilespmem:v58+s11+$0x0], $0xffff;
	[tilespmem:s7+$0xFFFFFEF0] =	vst v14  }
0xf2: {  	v61 =	vadd.s32 s6, v26;
	v12 =	vld.idx.msk [tilespmem:v59+s11+$0x0], $0xffff;
	[tilespmem:s7+$0xFFFFFF00] =	vst v11  }
0xf3: {  	v62 =	vadd.s32 s6, v7;
	v9 =	vld.idx.msk [tilespmem:v63+s11+$0x0], $0xffff;
	[tilespmem:s7+$0xFFFFFF10] =	vst v10  }
0xf4: {  	s9 =	sadd.s32 $0x200, s31;
	v21 =	vadd.s32 s8, v6;
	v8 =	vld.idx.msk [tilespmem:v20+s11+$0x0], $0xffff;
	[tilespmem:s7+$0xFFFFFF20] =	vst v17  }
0xf5: {  	s10 =	sadd.s32 $0x280, s31;
	v22 =	vadd.s32 s8, v1;
	v23 =	vadd.s32 s8, v5;
	v28 =	vadd.s32 s9, v3;
	v55 =	vld.idx.msk [tilespmem:v48+s11+$0x0], $0xffff;
	[tilespmem:s7+$0xFFFFFEA0] =	vst v0  }
0xf6: {  	v36 =	vadd.s32 s10, v3;
	v44 =	vadd.s32 s12, v3;
	v3 =	vld.idx.msk [tilespmem:v52+s11+$0x0], $0xffff;
	[tilespmem:s7+$0xFFFFFF30] =	vst v16  }
0xf7: {  	v24 =	vadd.s32 s8, v4;
	v13 =	vld.idx.msk [tilespmem:v61+s11+$0x0], $0xffff;
	[tilespmem:s7+$0xFFFFFF40] =	vst v12  }
0xf8: {  	v47 =	vadd.s32 s12, v1;
	v15 =	vld.idx.msk [tilespmem:v62+s11+$0x0], $0xffff;
	[tilespmem:s7+$0xFFFFFF80] =	vst v9  }
0xf9: {  	v51 =	vadd.s32 s12, v7;
	v14 =	vld.idx.msk [tilespmem:v21+s11+$0x0], $0xffff;
	[tilespmem:s7+$0xFFFFFF90] =	vst v8  }
0xfa: {  	v54 =	vadd.s32 s29, v2;
	v11 =	vld.idx.msk [tilespmem:v22+s11+$0x0], $0xffff;
	[tilespmem:s7+$0x140] =	vst v55  }
0xfb: {  	v56 =	vadd.s32 s29, v6;
	v10 =	vld.idx.msk [tilespmem:v23+s11+$0x0], $0xffff;
	[tilespmem:s7+$0x180] =	vst v3  }
0xfc: {  	v60 =	vadd.s32 s6, v4;
	v25 =	vadd.s32 s8, v26;
	v27 =	vadd.s32 s8, v7;
	v17 =	vld.idx.msk [tilespmem:v24+s11+$0x0], $0xffff;
	[tilespmem:s7+$0xFFFFFF60] =	vst v13  }
0xfd: {  	v29 =	vadd.s32 s9, v2;
	v30 =	vadd.s32 s9, v6;
	v31 =	vadd.s32 s9, v1;
	v53 =	vld.idx.msk [tilespmem:v47+s11+$0x0], $0xffff;
	[tilespmem:s7+$0xFFFFFF70] =	vst v15  }
0xfe: {  	v32 =	vadd.s32 s9, v5;
	v35 =	vadd.s32 s9, v7;
	v43 =	vadd.s32 s10, v7;
	v7 =	vld.idx.msk [tilespmem:v51+s11+$0x0], $0xffff;
	[tilespmem:s7+$0xFFFFFFA0] =	vst v14  }
0xff: {  	v37 =	vadd.s32 s10, v2;
	v45 =	vadd.s32 s12, v2;
	v2 =	vld.idx.msk [tilespmem:v54+s11+$0x0], $0xffff;
	[tilespmem:s7+$0xFFFFFFB0] =	vst v11  }
0x100: {  	v38 =	vadd.s32 s10, v6;
	v46 =	vadd.s32 s12, v6;
	v6 =	vld.idx.msk [tilespmem:v56+s11+$0x0], $0xffff;
	[tilespmem:s7+$0xFFFFFFC0] =	vst v10  }
0x101: {  	v49 =	vadd.s32 s12, v4;
	v0 =	vld.idx.msk [tilespmem:v60+s11+$0x0], $0xffff;
	[tilespmem:s7+$0xFFFFFFD0] =	vst v17  }
0x102: {  	v58 =	vadd.s32 s29, v1;
	v16 =	vld.idx.msk [tilespmem:v25+s11+$0x0], $0xffff;
	[tilespmem:s7+$0x130] =	vst v53  }
0x103: {  	v59 =	vadd.s32 s29, v5;
	v12 =	vld.idx.msk [tilespmem:v27+s11+$0x0], $0xffff;
	[tilespmem:s7+$0x170] =	vst v7  }
0x104: {  	v9 =	vld.idx.msk [tilespmem:v31+s11+$0x0], $0xffff;
	[tilespmem:s7+$0x190] =	vst v2  }
0x105: {  	v8 =	vld.idx.msk [tilespmem:v32+s11+$0x0], $0xffff;
	[tilespmem:s7+$0x1A0] =	vst v6  }
0x106: {  	v33 =	vadd.s32 s9, v4;
	v57 =	vld.idx.msk [tilespmem:v49+s11+$0x0], $0xffff;
	[tilespmem:s7+$0xFFFFFF50] =	vst v0  }
0x107: {  	v34 =	vadd.s32 s9, v26;
	v39 =	vadd.s32 s10, v1;
	v1 =	vld.idx.msk [tilespmem:v58+s11+$0x0], $0xffff;
	[tilespmem:s7+$0xFFFFFFE0] =	vst v16  }
0x108: {  	v62 =	vld.idx.msk [tilespmem:v59+s11+$0x0], $0xffff;
	[tilespmem:s7+$0xFFFFFFF0] =	vst v12  }
0x109: {  	v13 =	vld.idx.msk [tilespmem:v29+s11+$0x0], $0xffff;
	[tilespmem:s7+$0x30] =	vst v9  }
0x10a: {  	v61 =	vadd.s32 s29, v26;
	v15 =	vld.idx.msk [tilespmem:v30+s11+$0x0], $0xffff;
	[tilespmem:s7+$0x40] =	vst v8  }
0x10b: {  	v14 =	vld.idx.msk [tilespmem:v33+s11+$0x0], $0xffff;
	[tilespmem:s7+$0x150] =	vst v57  }
0x10c: {  	v11 =	vld.idx.msk [tilespmem:v34+s11+$0x0], $0xffff;
	[tilespmem:s7+$0x1B0] =	vst v1  }
0x10d: {  	v10 =	vld.idx.msk [tilespmem:v35+s11+$0x0], $0xffff;
	[tilespmem:s7+$0x1C0] =	vst v62  }
0x10e: {  	v42 =	vadd.s32 s10, v26;
	v17 =	vld.idx.msk [tilespmem:v36+s11+$0x0], $0xffff;
	[tilespmem:s7+$0x10] =	vst v13  }
0x10f: {  	v63 =	vld.idx.msk [tilespmem:v61+s11+$0x0], $0xffff;
	[tilespmem:s7+$0x20] =	vst v15  }
0x110: {  	v60 =	vadd.s32 s29, v4;
	v0 =	vld.idx.msk [tilespmem:v28+s11+$0x0], $0xffff;
	[tilespmem:s7+$0x50] =	vst v14  }
0x111: {  	v40 =	vadd.s32 s10, v5;
	v16 =	vld.idx.msk [tilespmem:v37+s11+$0x0], $0xffff;
	[tilespmem:s7+$0x60] =	vst v11  }
0x112: {  	v12 =	vld.idx.msk [tilespmem:v38+s11+$0x0], $0xffff;
	[tilespmem:s7+$0x70] =	vst v10  }
0x113: {  	v41 =	vadd.s32 s10, v4;
	v9 =	vld.idx.msk [tilespmem:v42+s11+$0x0], $0xffff;
	[tilespmem:s7+$0x80] =	vst v17  }
0x114: {  	v8 =	vld.idx.msk [tilespmem:v43+s11+$0x0], $0xffff;
	[tilespmem:s7+$0x1E0] =	vst v63  }
0x115: {  	v4 =	vld.idx.msk [tilespmem:v60+s11+$0x0], $0xffff;
	[tilespmem:s7+$0x0] =	vst v0  }
0x116: {  	v13 =	vld.idx.msk [tilespmem:v40+s11+$0x0], $0xffff;
	[tilespmem:s7+$0x90] =	vst v16  }
0x117: {  	v50 =	vadd.s32 s12, v26;
	v0 =	vld.idx.msk [tilespmem:v39+s11+$0x0], $0xffff;
	[tilespmem:s7+$0xA0] =	vst v12  }
0x118: {  	v15 =	vld.idx.msk [tilespmem:v41+s11+$0x0], $0xffff;
	[tilespmem:s7+$0xE0] =	vst v9  }
0x119: {  	s31 =	sshll.u32 s26, $0x3;
	s30 =	sshrl.u32 s26, $0x1;
	v14 =	vld.idx.msk [tilespmem:v44+s11+$0x0], $0xffff;
	[tilespmem:s7+$0xF0] =	vst v8  }
0x11a: {  	s6 =	sand.u32 $0x8, s31;
	s0 =	sadd.s32 s23, s30;
	v11 =	vld.idx.msk [tilespmem:v45+s11+$0x0], $0xffff;
	[tilespmem:s7+$0x1D0] =	vst v4  }
0x11b: {  	s6 =	sadd.s32 s20, s6;
	s0 =	smul.u32 $0xC0, s0;
	v10 =	vld.idx.msk [tilespmem:v46+s11+$0x0], $0xffff;
	[tilespmem:s7+$0xC0] =	vst v13  }
0x11c: {  	s6 =	smul.u32 $0xC, s6;
	s26 =	sadd.s32 $0x1, s26;
	[tilespmem:s7+$0xB0] =	vst v0;
	v0 =	vld.idx.msk [tilespmem:v50+s11+$0x0], $0xffff  }
0x11d: {  	p0 =	sne.s32 s26, $0x4;
	s0 =	sor.u32 s21, s0;
	[tilespmem:s7+$0xD0] =	vst v15  }
.Ltmp1:
0x11e: {  	s0 =	sadd.s32 s6, s0;
	[tilespmem:s7+$0x100] =	vst v14;
	(pc) =	sbr.rel @p0 .LBB2_3-.Ltmp1, $4  }
0x11f: {  	s0 =	sshll.u32 s0, $0xA;
	[tilespmem:s7+$0x110] =	vst v11  }
0x120: {  	s0 =	sand.u32 $0x1FFFFC00, s0;
	[tilespmem:s7+$0x120] =	vst v10  }
0x121: {  	s25 =	sadd.s32 $0x2000, s25;
	s0 =	sadd.s32 s4, s0;
	[tilespmem:s7+$0x160] =	vst v0  }
0x122: {  	[hbm4b:s0+s5] =	stream.linear.scatter [tilespmem:s28], [sflag:$0x3], $0x2000, $0x38;
	[tilespmem:$0x18200] =	vst v63  }
0x123: {  	s0 =	sadd.s32 s1, s22;
	p0 =	seq.s32 s19, $0x11  }
0x124: {  	s2 =	sadd.s32 @!p0 $0x1, s0  }
0x125: {  	s6 =	smulhi.u32 @!p0 $0x2AAAAAAB, s2;
	_ =	sdelay $0x1  }
0x126: {  	s6 =	sshrl.u32 @!p0 s6, $0x4  }
0x127: {  	s7 =	smul.u32 @!p0 $0x60, s6  }
0x128: {  	s6 =	smul.u32 @!p0 $0xC0, s6  }
0x129: {  	s2 =	ssub.s32 @!p0 s2, s7  }
0x12a: {  	s2 =	sadd.s32 @!p0 s2, s6  }
0x12b: {  	s6 =	sshll.u32 @!p0 s2, $0xB;
	s2 =	sshll.u32 @!p0 s2, $0xE  }
0x12c: {  	s8 =	simm.s32 @!p0 $0x200;
	s6 =	sand.u32 @!p0 $0x1FFFF800, s6;
	s2 =	sadd.s32 @!p0 $0x180000, s2  }
0x12d: {  	s7 =	simm.s32 @!p0 $0x0;
	s6 =	sadd.s32 @!p0 s3, s6;
	s2 =	sshrl.u32 @!p0 s2, $0x3  }
0x12e: {  	[tilespmem:s8], [sflag:$0x1] =	stream.linear.gather @!p0 [hbm4b:s6+s7], $0x4000, $0x38;
	[tilespmem:$0x18200] =	vst v63  }
0x12f: {  	s2 =	sadd.s32 @!p0 s3, s2;
	s6 =	simm.s32 @!p0 $0x4200  }
0x130: {  	[tilespmem:s6], [sflag:$0x1] =	stream.linear.gather @!p0 [hbm4b:s2+s7], $0x4000, $0x38;
	[tilespmem:$0x18200] =	vst v63  }
0x131: {  	_ =	swait.ge [sflag:s16], $0x2000  }
0x132: {  	[sflag:s16] =	ssyncset.done $0x0  }
0x133: {  	[sflag:s16] =	ssyncadd.s32 $0xFFFFE000  }
0x134: {  	_ =	swait.ge [sflag:s16], $0x2000  }
0x135: {  	[sflag:s16] =	ssyncset.done $0x0  }
0x136: {  	s30 =	smulhi.u32 $0x2AAAAAAB, s0;
	[sflag:s16] =	ssyncadd.s32 $0xFFFFE000  }
0x137: {  	_ =	swait.ge [sflag:s16], $0x2000  }
0x138: {  	s2 =	sshrl.u32 s30, $0x4;
	[sflag:s16] =	ssyncset.done $0x0  }
0x139: {  	s31 =	smul.u32 $0x60, s2;
	[sflag:s16] =	ssyncadd.s32 $0xFFFFE000  }
0x13a: {  	_ =	swait.ge [sflag:s16], $0x2000  }
0x13b: {  	s0 =	ssub.s32 s0, s31;
	[sflag:s16] =	ssyncset.done $0x0  }
0x13c: {  	s6 =	smul.u32 $0x2B, s0;
	[sflag:s16] =	ssyncadd.s32 $0xFFFFE000  }
0x13d: {  	_ =	swait.ge [sflag:s17], $0x4000  }
0x13e: {  	s20 =	sshrl.u32 s6, $0x9;
	[sflag:s17] =	ssyncset.done $0x0  }
0x13f: {  	s6 =	smul.u32 $0xC, s20;
	[sflag:s17] =	ssyncadd.s32 $0xFFFFC000  }
0x140: {  	s23 =	simm.s32 $0x0;
	s24 =	simm.s32 $0x10400;
	_ =	swait.ge [sflag:s17], $0x4000  }
0x141: {  	s25 =	simm.s32 $0x0;
	s0 =	ssub.s32 s0, s6;
	[sflag:s17] =	ssyncset.done $0x0  }
0x142: {  	s22 =	sshll.u32 s2, $0x1;
	s21 =	sand.u32 $0xFF, s0;
	[sflag:s17] =	ssyncadd.s32 $0xFFFFC000  }
.LBB2_7:
0x143: {  	s0 =	sshll.u32 s25, $0x7  }
0x144: {  	s28 =	sand.u32 $0x3FFFFF80, s0  }
0x145: {  	v13 =	vld [tilespmem:s28+$0x0]  }
0x146: {  	v12 =	vld [tilespmem:s28+$0x10]  }
0x147: {  	v11 =	vld [tilespmem:s28+$0x20]  }
0x148: {  	v10 =	vld [tilespmem:s28+$0x30]  }
0x149: {  	v9 =	vld [tilespmem:s28+$0x40]  }
0x14a: {  	v14 =	vld [tilespmem:s28+$0x70]  }
0x14b: {  	v8 =	vld [tilespmem:s28+$0x50]  }
0x14c: {  	v7 =	vld [tilespmem:s28+$0x60]  }
0x14d: {  	v3 =	vld [tilespmem:s28+$0x0]  }
0x14e: {  	s2 =	simm.s32 $0x380;
	v2 =	vld [tilespmem:s28+$0x10];
	v15 =	vadd.s32 s23, v13  }
0x14f: {  	v6 =	vld [tilespmem:s28+$0x20];
	v16 =	vadd.s32 s2, v14  }
0x150: {  	v1 =	vld [tilespmem:s28+$0x30];
	v17 =	vadd.s32 s23, v12  }
0x151: {  	v5 =	vld [tilespmem:s28+$0x40];
	v18 =	vadd.s32 s23, v11  }
0x152: {  	v4 =	vld [tilespmem:s28+$0x50];
	v19 =	vadd.s32 s23, v10  }
0x153: {  	v20 =	vadd.s32 s23, v9;
	v15 =	vld.idx.msk [tilespmem:v15+s13+$0x0], $0xffff  }
0x154: {  	v21 =	vadd.s32 s23, v8;
	v16 =	vld.idx.msk [tilespmem:v16+s13+$0x0], $0xffff  }
0x155: {  	s8 =	simm.s32 $0x80;
	v0 =	vadd.s32 s23, v7;
	v17 =	vld.idx.msk [tilespmem:v17+s13+$0x0], $0xffff  }
0x156: {  	v23 =	vadd.s32 s8, v13;
	v18 =	vld.idx.msk [tilespmem:v18+s13+$0x0], $0xffff  }
0x157: {  	v24 =	vadd.s32 s8, v12;
	v19 =	vld.idx.msk [tilespmem:v19+s13+$0x0], $0xffff  }
0x158: {  	v25 =	vadd.s32 s8, v11;
	v20 =	vld.idx.msk [tilespmem:v20+s13+$0x0], $0xffff  }
0x159: {  	s6 =	simm.s32 $0x100;
	v27 =	vadd.s32 s8, v10;
	v21 =	vld.idx.msk [tilespmem:v21+s13+$0x0], $0xffff  }
0x15a: {  	v49 =	vadd.s32 s6, v11;
	v0 =	vld.idx.msk [tilespmem:v0+s13+$0x0], $0xffff  }
0x15b: {  	s9 =	simm.s32 $0x180;
	v50 =	vadd.s32 s6, v10;
	v44 =	vld.idx.msk [tilespmem:v23+s13+$0x0], $0xffff;
	[tilespmem:s24+$0x1F0] =	vst v16  }
0x15c: {  	v56 =	vadd.s32 s9, v13;
	v46 =	vld.idx.msk [tilespmem:v24+s13+$0x0], $0xffff;
	[tilespmem:s24+$0xFFFFFE00] =	vst v15  }
0x15d: {  	v58 =	vadd.s32 s9, v12;
	v47 =	vld.idx.msk [tilespmem:v25+s13+$0x0], $0xffff;
	[tilespmem:s24+$0xFFFFFE10] =	vst v17  }
0x15e: {  	v59 =	vadd.s32 s9, v11;
	v48 =	vld.idx.msk [tilespmem:v27+s13+$0x0], $0xffff;
	[tilespmem:s24+$0xFFFFFE20] =	vst v18  }
0x15f: {  	v63 =	vadd.s32 s9, v7;
	v55 =	vld.idx.msk [tilespmem:v49+s13+$0x0], $0xffff;
	[tilespmem:s24+$0xFFFFFE30] =	vst v19  }
0x160: {  	s10 =	simm.s32 $0x200;
	v31 =	vadd.s32 s9, v14;
	v57 =	vld.idx.msk [tilespmem:v50+s13+$0x0], $0xffff;
	[tilespmem:s24+$0xFFFFFE40] =	vst v20  }
0x161: {  	v33 =	vadd.s32 s10, v13;
	v62 =	vld.idx.msk [tilespmem:v56+s13+$0x0], $0xffff;
	[tilespmem:s24+$0xFFFFFE50] =	vst v21  }
0x162: {  	v22 =	vadd.s32 s23, v14;
	v30 =	vld.idx.msk [tilespmem:v58+s13+$0x0], $0xffff;
	[tilespmem:s24+$0xFFFFFE60] =	vst v0  }
0x163: {  	v42 =	vadd.s32 s8, v9;
	v32 =	vld.idx.msk [tilespmem:v59+s13+$0x0], $0xffff;
	[tilespmem:s24+$0xFFFFFE80] =	vst v44  }
0x164: {  	v43 =	vadd.s32 s8, v8;
	v35 =	vld.idx.msk [tilespmem:v63+s13+$0x0], $0xffff;
	[tilespmem:s24+$0xFFFFFE90] =	vst v46  }
0x165: {  	v24 =	vadd.s32 s8, v14;
	v37 =	vld.idx.msk [tilespmem:v31+s13+$0x0], $0xffff;
	[tilespmem:s24+$0xFFFFFEA0] =	vst v47  }
0x166: {  	v25 =	vadd.s32 s6, v13;
	v39 =	vld.idx.msk [tilespmem:v33+s13+$0x0], $0xffff;
	[tilespmem:s24+$0xFFFFFEB0] =	vst v48  }
0x167: {  	v45 =	vadd.s32 s8, v7;
	v15 =	vld.idx.msk [tilespmem:v22+s13+$0x0], $0xffff;
	[tilespmem:s24+$0xFFFFFF20] =	vst v55  }
0x168: {  	v27 =	vadd.s32 s6, v12;
	v16 =	vld.idx.msk [tilespmem:v42+s13+$0x0], $0xffff;
	[tilespmem:s24+$0xFFFFFF30] =	vst v57  }
0x169: {  	v36 =	vadd.s32 s10, v9;
	v0 =	vld.idx.msk [tilespmem:v43+s13+$0x0], $0xffff;
	[tilespmem:s24+$0xFFFFFF80] =	vst v62  }
0x16a: {  	v38 =	vadd.s32 s10, v8;
	v52 =	vld.idx.msk [tilespmem:v24+s13+$0x0], $0xffff;
	[tilespmem:s24+$0xFFFFFF90] =	vst v30  }
0x16b: {  	v51 =	vadd.s32 s6, v9;
	v53 =	vld.idx.msk [tilespmem:v25+s13+$0x0], $0xffff;
	[tilespmem:s24+$0xFFFFFFA0] =	vst v32  }
0x16c: {  	v24 =	vadd.s32 s6, v8;
	[tilespmem:s24+$0xFFFFFE70] =	vst v15;
	v15 =	vld.idx.msk [tilespmem:v45+s13+$0x0], $0xffff  }
0x16d: {  	v25 =	vadd.s32 s6, v7;
	v54 =	vld.idx.msk [tilespmem:v27+s13+$0x0], $0xffff;
	[tilespmem:s24+$0xFFFFFFE0] =	vst v35  }
0x16e: {  	v27 =	vadd.s32 s6, v14;
	v42 =	vld.idx.msk [tilespmem:v36+s13+$0x0], $0xffff;
	[tilespmem:s24+$0xFFFFFFF0] =	vst v37  }
0x16f: {  	s26 =	simm.s32 $0x300;
	v40 =	vadd.s32 s10, v7;
	v44 =	vld.idx.msk [tilespmem:v38+s13+$0x0], $0xffff;
	[tilespmem:s24+$0x0] =	vst v39  }
0x170: {  	v50 =	vadd.s32 s26, v13;
	[tilespmem:s24+$0xFFFFFED0] =	vst v0;
	v0 =	vld.idx.msk [tilespmem:v51+s13+$0x0], $0xffff  }
0x171: {  	[tilespmem:s24+$0xFFFFFEE0] =	vst v15;
	v15 =	vld.idx.msk [tilespmem:v24+s13+$0x0], $0xffff;
	v24 =	vadd.s32 s9, v10  }
0x172: {  	[tilespmem:s24+$0xFFFFFEC0] =	vst v16;
	v60 =	vld.idx.msk [tilespmem:v25+s13+$0x0], $0xffff;
	v25 =	vadd.s32 s9, v9  }
0x173: {  	[tilespmem:s24+$0xFFFFFEF0] =	vst v52;
	v61 =	vld.idx.msk [tilespmem:v27+s13+$0x0], $0xffff;
	v27 =	vadd.s32 s9, v8  }
0x174: {  	s12 =	simm.s32 $0x280;
	v46 =	vld.idx.msk [tilespmem:v40+s13+$0x0], $0xffff;
	[tilespmem:s24+$0xFFFFFF00] =	vst v53  }
0x175: {  	v47 =	vadd.s32 s12, v9;
	v21 =	vld.idx.msk [tilespmem:v50+s13+$0x0], $0xffff;
	[tilespmem:s24+$0xFFFFFF10] =	vst v54  }
0x176: {  	[tilespmem:s24+$0xFFFFFF40] =	vst v0;
	v0 =	vld.idx.msk [tilespmem:v24+s13+$0x0], $0xffff;
	v24 =	vadd.s32 s10, v12  }
0x177: {  	[tilespmem:s24+$0xFFFFFF50] =	vst v15;
	v15 =	vld.idx.msk [tilespmem:v25+s13+$0x0], $0xffff;
	v25 =	vadd.s32 s10, v11  }
0x178: {  	[tilespmem:s24+$0x40] =	vst v42;
	v34 =	vld.idx.msk [tilespmem:v27+s13+$0x0], $0xffff;
	v27 =	vadd.s32 s10, v10  }
0x179: {  	v26 =	vld [tilespmem:s28+$0x60];
	v45 =	vadd.s32 s12, v10;
	[tilespmem:s24+$0x50] =	vst v44  }
0x17a: {  	v53 =	vld.idx.msk [tilespmem:v47+s13+$0x0], $0xffff;
	v54 =	vadd.s32 s26, v11;
	[tilespmem:s24+$0x60] =	vst v46  }
0x17b: {  	[tilespmem:s24+$0x100] =	vst v21;
	v41 =	vld.idx.msk [tilespmem:v24+s13+$0x0], $0xffff;
	v24 =	vadd.s32 s10, v14  }
0x17c: {  	[tilespmem:s24+$0xFFFFFFB0] =	vst v0;
	v0 =	vld.idx.msk [tilespmem:v25+s13+$0x0], $0xffff;
	v25 =	vadd.s32 s12, v13  }
0x17d: {  	[tilespmem:s24+$0xFFFFFFC0] =	vst v15;
	v15 =	vld.idx.msk [tilespmem:v27+s13+$0x0], $0xffff;
	v27 =	vadd.s32 s12, v12  }
0x17e: {  	v43 =	vadd.s32 s12, v11;
	[tilespmem:s24+$0xFFFFFF60] =	vst v60;
	v51 =	vld.idx.msk [tilespmem:v45+s13+$0x0], $0xffff  }
0x17f: {  	[tilespmem:s24+$0xFFFFFF70] =	vst v61;
	v58 =	vld.idx.msk [tilespmem:v54+s13+$0x0], $0xffff;
	v13 =	vadd.s32 s2, v13  }
0x180: {  	v52 =	vadd.s32 s26, v12;
	[tilespmem:s24+$0xC0] =	vst v53;
	v12 =	vadd.s32 s2, v12;
	v48 =	vld.idx.msk [tilespmem:v24+s13+$0x0], $0xffff  }
0x181: {  	[tilespmem:s24+$0xFFFFFFD0] =	vst v34;
	v24 =	vadd.s32 s12, v8;
	v49 =	vld.idx.msk [tilespmem:v25+s13+$0x0], $0xffff  }
0x182: {  	v25 =	vadd.s32 s12, v7;
	[tilespmem:s24+$0x20] =	vst v0;
	v0 =	vld.idx.msk [tilespmem:v27+s13+$0x0], $0xffff  }
0x183: {  	v27 =	vadd.s32 s12, v14;
	[tilespmem:s24+$0x30] =	vst v15;
	v15 =	vld.idx.msk [tilespmem:v43+s13+$0x0], $0xffff  }
0x184: {  	[tilespmem:s24+$0xB0] =	vst v51;
	v13 =	vld.idx.msk [tilespmem:v13+s13+$0x0], $0xffff  }
0x185: {  	[tilespmem:s24+$0x120] =	vst v58;
	v14 =	vadd.s32 s26, v14;
	v12 =	vld.idx.msk [tilespmem:v12+s13+$0x0], $0xffff  }
0x186: {  	v11 =	vadd.s32 s2, v11;
	[tilespmem:s24+$0x10] =	vst v41;
	v55 =	vld.idx.msk [tilespmem:v24+s13+$0x0], $0xffff  }
0x187: {  	v24 =	vadd.s32 s26, v10;
	[tilespmem:s24+$0x70] =	vst v48;
	v56 =	vld.idx.msk [tilespmem:v25+s13+$0x0], $0xffff  }
0x188: {  	v25 =	vadd.s32 s26, v9;
	[tilespmem:s24+$0x80] =	vst v49;
	v57 =	vld.idx.msk [tilespmem:v27+s13+$0x0], $0xffff  }
0x189: {  	v27 =	vadd.s32 s26, v8;
	[tilespmem:s24+$0xA0] =	vst v15;
	v15 =	vld.idx.msk [tilespmem:v52+s13+$0x0], $0xffff  }
0x18a: {  	[tilespmem:s24+$0x90] =	vst v0;
	v0 =	vadd.s32 s26, v7;
	v63 =	vld.idx.msk [tilespmem:v14+s13+$0x0], $0xffff  }
0x18b: {  	v10 =	vadd.s32 s2, v10;
	v14 =	vld.idx.msk [tilespmem:v11+s13+$0x0], $0xffff;
	[tilespmem:s24+$0x180] =	vst v13  }
0x18c: {  	v9 =	vadd.s32 s2, v9;
	v59 =	vld.idx.msk [tilespmem:v24+s13+$0x0], $0xffff;
	[tilespmem:s24+$0xD0] =	vst v55  }
0x18d: {  	v8 =	vadd.s32 s2, v8;
	v60 =	vld.idx.msk [tilespmem:v25+s13+$0x0], $0xffff;
	[tilespmem:s24+$0xE0] =	vst v56  }
0x18e: {  	v61 =	vld.idx.msk [tilespmem:v27+s13+$0x0], $0xffff;
	[tilespmem:s24+$0xF0] =	vst v57  }
0x18f: {  	v62 =	vld.idx.msk [tilespmem:v0+s13+$0x0], $0xffff;
	[tilespmem:s24+$0x110] =	vst v15;
	v15 =	vadd.s32 s2, v7  }
0x190: {  	v11 =	vld.idx.msk [tilespmem:v10+s13+$0x0], $0xffff;
	[tilespmem:s24+$0x170] =	vst v63  }
0x191: {  	v10 =	vld.idx.msk [tilespmem:v9+s13+$0x0], $0xffff;
	[tilespmem:s24+$0x130] =	vst v59  }
0x192: {  	s31 =	sshll.u32 s25, $0xD;
	v9 =	vld.idx.msk [tilespmem:v8+s13+$0x0], $0xffff;
	[tilespmem:s24+$0x140] =	vst v60  }
0x193: {  	s30 =	simm.s32 $0x40;
	s0 =	sand.u32 $0x3FFFE000, s31;
	v7 =	vld [tilespmem:s28+$0x70];
	[tilespmem:s24+$0x150] =	vst v61  }
0x194: {  	s29 =	smov.u32 s24;
	s26 =	sadd.s32 $0x10200, s0;
	s2 =	simm.s32 $0x0;
	[tilespmem:s24+$0x160] =	vst v62;
	v8 =	vld.idx.msk [tilespmem:v15+s13+$0x0], $0xffff  }
.LBB2_8:
0x195: {  	v13 =	vld [tilespmem:s28+$0x0]  }
0x196: {  	v28 =	vld [tilespmem:s28+$0x10];
	s2 =	sadd.s32 $0x800, s2  }
0x197: {  	v29 =	vld [tilespmem:s28+$0x20];
	v15 =	vadd.s32 s2, v6  }
0x198: {  	v30 =	vld [tilespmem:s28+$0x30];
	v16 =	vadd.s32 s2, v5  }
0x199: {  	v31 =	vld [tilespmem:s28+$0x40];
	s6 =	sadd.s32 $0x80, s2;
	v18 =	vadd.s32 s2, v26  }
0x19a: {  	v32 =	vld [tilespmem:s28+$0x50];
	v20 =	vadd.s32 s6, v2  }
0x19b: {  	v33 =	vld [tilespmem:s28+$0x60];
	v21 =	vadd.s32 s6, v6  }
0x19c: {  	v34 =	vadd.s32 s6, v5;
	v15 =	vld.idx.msk [tilespmem:v15+s13+$0x0], $0xffff  }
0x19d: {  	s9 =	sadd.s32 $0x100, s2;
	v35 =	vadd.s32 s6, v4;
	[tilespmem:s29+$0x190] =	vst v12;
	v16 =	vld.idx.msk [tilespmem:v16+s13+$0x0], $0xffff  }
0x19e: {  	v39 =	vadd.s32 s9, v2;
	[tilespmem:s29+$0x1A0] =	vst v14;
	v57 =	vld.idx.msk [tilespmem:v18+s13+$0x0], $0xffff  }
0x19f: {  	s10 =	sadd.s32 $0x180, s2;
	v40 =	vadd.s32 s9, v6;
	[tilespmem:s29+$0x1B0] =	vst v11;
	v0 =	vld.idx.msk [tilespmem:v20+s13+$0x0], $0xffff  }
0x1a0: {  	v43 =	vadd.s32 s9, v4;
	v46 =	vadd.s32 s10, v3;
	[tilespmem:s29+$0x1C0] =	vst v10;
	v22 =	vld.idx.msk [tilespmem:v21+s13+$0x0], $0xffff  }
0x1a1: {  	s8 =	sadd.s32 $0x200, s2;
	s12 =	sadd.s32 $0x300, s2;
	v47 =	vadd.s32 s10, v2;
	v48 =	vadd.s32 s10, v6;
	v50 =	vadd.s32 s10, v5;
	[tilespmem:s29+$0x1D0] =	vst v9;
	v24 =	vld.idx.msk [tilespmem:v34+s13+$0x0], $0xffff  }
0x1a2: {  	s0 =	sadd.s32 $0x380, s2;
	s7 =	sadd.s32 $0x280, s2;
	v56 =	vadd.s32 s8, v6;
	[tilespmem:s29+$0x1E0] =	vst v8;
	v20 =	vadd.s32 s12, v2;
	v25 =	vld.idx.msk [tilespmem:v35+s13+$0x0], $0xffff  }
0x1a3: {  	v27 =	vadd.s32 s7, v6;
	v39 =	vld.idx.msk [tilespmem:v39+s13+$0x0], $0xffff;
	[tilespmem:$0x1FFC0] =	vst v20;
	v20 =	vadd.s32 s12, v6;
	v6 =	vadd.s32 s0, v6  }
0x1a4: {  	v54 =	vadd.s32 s8, v3;
	s29 =	sadd.s32 $0x400, s29;
	v40 =	vld.idx.msk [tilespmem:v40+s13+$0x0], $0xffff;
	[tilespmem:$0x1FFD0] =	vst v6  }
0x1a5: {  	v12 =	vadd.s32 s2, v3;
	v43 =	vld.idx.msk [tilespmem:v43+s13+$0x0], $0xffff;
	[tilespmem:s29+$0xFFFFFE20] =	vst v15  }
0x1a6: {  	v17 =	vadd.s32 s0, v7;
	v46 =	vld.idx.msk [tilespmem:v46+s13+$0x0], $0xffff;
	[tilespmem:s29+$0xFFFFFE40] =	vst v16  }
0x1a7: {  	v14 =	vadd.s32 s2, v2;
	v47 =	vld.idx.msk [tilespmem:v47+s13+$0x0], $0xffff;
	[tilespmem:s29+$0xFFFFFE60] =	vst v57  }
0x1a8: {  	v11 =	vadd.s32 s2, v1;
	v50 =	vld.idx.msk [tilespmem:v50+s13+$0x0], $0xffff;
	[tilespmem:s29+$0xFFFFFE90] =	vst v0  }
0x1a9: {  	v10 =	vadd.s32 s2, v4;
	v54 =	vld.idx.msk [tilespmem:v54+s13+$0x0], $0xffff;
	[tilespmem:s29+$0xFFFFFEA0] =	vst v22  }
0x1aa: {  	v19 =	vadd.s32 s2, v7;
	v12 =	vld.idx.msk [tilespmem:v12+s13+$0x0], $0xffff;
	[tilespmem:s29+$0xFFFFFEC0] =	vst v24  }
0x1ab: {  	v9 =	vadd.s32 s6, v3;
	v17 =	vld.idx.msk [tilespmem:v17+s13+$0x0], $0xffff;
	[tilespmem:s29+$0xFFFFFED0] =	vst v25  }
0x1ac: {  	v8 =	vadd.s32 s6, v1;
	v14 =	vld.idx.msk [tilespmem:v14+s13+$0x0], $0xffff;
	[tilespmem:s29+$0xFFFFFF10] =	vst v39  }
0x1ad: {  	v53 =	vadd.s32 s10, v7;
	v11 =	vld.idx.msk [tilespmem:v11+s13+$0x0], $0xffff;
	[tilespmem:s29+$0xFFFFFF20] =	vst v40  }
0x1ae: {  	v38 =	vadd.s32 s9, v3;
	v10 =	vld.idx.msk [tilespmem:v10+s13+$0x0], $0xffff;
	[tilespmem:s29+$0xFFFFFF50] =	vst v43  }
0x1af: {  	v41 =	vadd.s32 s9, v1;
	v61 =	vld.idx.msk [tilespmem:v19+s13+$0x0], $0xffff;
	[tilespmem:s29+$0xFFFFFF80] =	vst v46  }
0x1b0: {  	v42 =	vadd.s32 s9, v5;
	v9 =	vld.idx.msk [tilespmem:v9+s13+$0x0], $0xffff;
	[tilespmem:s29+$0xFFFFFF90] =	vst v47  }
0x1b1: {  	v37 =	vadd.s32 s6, v7;
	v23 =	vld.idx.msk [tilespmem:v8+s13+$0x0], $0xffff;
	[tilespmem:s29+$0xFFFFFFC0] =	vst v50  }
0x1b2: {  	v36 =	vadd.s32 s6, v26;
	v53 =	vld.idx.msk [tilespmem:v53+s13+$0x0], $0xffff;
	[tilespmem:s29+$0x0] =	vst v54  }
0x1b3: {  	v45 =	vadd.s32 s9, v7;
	v0 =	vld.idx.msk [tilespmem:v38+s13+$0x0], $0xffff;
	[tilespmem:s29+$0xFFFFFE00] =	vst v12  }
0x1b4: {  	v24 =	vld.idx.msk [tilespmem:v41+s13+$0x0], $0xffff;
	[tilespmem:s29+$0xFFFFFE10] =	vst v14  }
0x1b5: {  	v49 =	vadd.s32 s10, v1;
	v25 =	vld.idx.msk [tilespmem:v42+s13+$0x0], $0xffff;
	[tilespmem:s29+$0xFFFFFE30] =	vst v11  }
0x1b6: {  	v44 =	vadd.s32 s9, v26;
	v55 =	vadd.s32 s8, v2;
	[tilespmem:s29+$0xFFFFFE80] =	vst v9;
	v9 =	vld.idx.msk [tilespmem:v37+s13+$0x0], $0xffff  }
0x1b7: {  	v35 =	vadd.s32 s0, v2;
	v12 =	vadd.s32 s7, v3;
	v14 =	vadd.s32 s7, v2;
	[tilespmem:s29+$0xFFFFFE50] =	vst v10;
	v2 =	vmovc v28;
	v28 =	vld.idx.msk [tilespmem:v36+s13+$0x0], $0xffff  }
0x1b8: {  	[tilespmem:s29+$0xFFFFFF00] =	vst v0;
	v0 =	vld.idx.msk [tilespmem:v45+s13+$0x0], $0xffff  }
0x1b9: {  	v11 =	vadd.s32 s7, v7;
	[tilespmem:s29+$0xFFFFFF30] =	vst v24;
	v24 =	vld.idx.msk [tilespmem:v48+s13+$0x0], $0xffff  }
0x1ba: {  	v10 =	vadd.s32 s12, v4;
	[tilespmem:s29+$0xFFFFFF40] =	vst v25;
	v25 =	vld.idx.msk [tilespmem:v49+s13+$0x0], $0xffff  }
0x1bb: {  	v52 =	vadd.s32 s10, v26;
	[tilespmem:s29+$0xFFFFFEF0] =	vst v9;
	v9 =	vld.idx.msk [tilespmem:v44+s13+$0x0], $0xffff  }
0x1bc: {  	[tilespmem:s29+$0x1F0] =	vst v17;
	v12 =	vld.idx.msk [tilespmem:v12+s13+$0x0], $0xffff  }
0x1bd: {  	[tilespmem:s29+$0xFFFFFE70] =	vst v61;
	v14 =	vld.idx.msk [tilespmem:v14+s13+$0x0], $0xffff  }
0x1be: {  	v58 =	vadd.s32 s8, v1;
	[tilespmem:s29+$0xFFFFFEB0] =	vst v23;
	v11 =	vld.idx.msk [tilespmem:v11+s13+$0x0], $0xffff  }
0x1bf: {  	v62 =	vadd.s32 s8, v26;
	[tilespmem:s29+$0xFFFFFFF0] =	vst v53;
	v10 =	vld.idx.msk [tilespmem:v10+s13+$0x0], $0xffff  }
0x1c0: {  	v63 =	vadd.s32 s8, v7;
	v7 =	vadd.s32 s12, v7;
	[tilespmem:s29+$0xFFFFFF70] =	vst v0;
	v0 =	vld.idx.msk [tilespmem:v52+s13+$0x0], $0xffff  }
0x1c1: {  	[tilespmem:s29+$0xFFFFFFA0] =	vst v24;
	v24 =	vld.idx.msk [tilespmem:v55+s13+$0x0], $0xffff  }
0x1c2: {  	v60 =	vadd.s32 s8, v4;
	[tilespmem:s29+$0xFFFFFFB0] =	vst v25;
	v25 =	vld.idx.msk [tilespmem:v56+s13+$0x0], $0xffff  }
0x1c3: {  	v51 =	vadd.s32 s10, v4;
	[tilespmem:s29+$0xFFFFFEE0] =	vst v28;
	v56 =	vld.idx.msk [tilespmem:v58+s13+$0x0], $0xffff  }
0x1c4: {  	v21 =	vadd.s32 s12, v3;
	v58 =	vld.idx.msk [tilespmem:v62+s13+$0x0], $0xffff;
	[tilespmem:s29+$0xFFFFFF60] =	vst v9  }
0x1c5: {  	v62 =	vld.idx.msk [tilespmem:v7+s13+$0x0], $0xffff;
	[tilespmem:s29+$0x80] =	vst v12  }
0x1c6: {  	v57 =	vadd.s32 s0, v3;
	v3 =	vmov v13;
	v13 =	vadd.s32 s0, v1;
	v7 =	vld [tilespmem:s28+$0x70];
	[tilespmem:s29+$0x90] =	vst v14  }
0x1c7: {  	v15 =	vadd.s32 s7, v5;
	[tilespmem:s29+$0xFFFFFFE0] =	vst v0;
	v0 =	vld.idx.msk [tilespmem:v60+s13+$0x0], $0xffff  }
0x1c8: {  	v9 =	vld.idx.msk [tilespmem:v51+s13+$0x0], $0xffff;
	[tilespmem:s29+$0xF0] =	vst v11  }
0x1c9: {  	v59 =	vadd.s32 s8, v5;
	v12 =	vld.idx.msk [tilespmem:v21+s13+$0x0], $0xffff;
	[tilespmem:s29+$0x150] =	vst v10  }
0x1ca: {  	v19 =	vadd.s32 s7, v26;
	v14 =	vld [tilespmem:$0x1FFC0];
	[tilespmem:s29+$0x10] =	vst v24  }
0x1cb: {  	v11 =	vld.idx.msk [tilespmem:v13+s13+$0x0], $0xffff;
	[tilespmem:s29+$0x20] =	vst v25  }
0x1cc: {  	v8 =	vadd.s32 s12, v1;
	[tilespmem:s29+$0x50] =	vst v0;
	v0 =	vld.idx.msk [tilespmem:v15+s13+$0x0], $0xffff  }
0x1cd: {  	[tilespmem:s29+$0x30] =	vst v56;
	v24 =	vld.idx.msk [tilespmem:v27+s13+$0x0], $0xffff  }
0x1ce: {  	v17 =	vadd.s32 s7, v1;
	[tilespmem:s29+$0xFFFFFFD0] =	vst v9;
	v9 =	vld.idx.msk [tilespmem:v59+s13+$0x0], $0xffff  }
0x1cf: {  	v18 =	vadd.s32 s7, v4;
	[tilespmem:s29+$0x60] =	vst v58;
	v60 =	vld.idx.msk [tilespmem:v19+s13+$0x0], $0xffff  }
0x1d0: {  	[tilespmem:s29+$0x170] =	vst v62;
	v59 =	vld.idx.msk [tilespmem:v63+s13+$0x0], $0xffff  }
0x1d1: {  	[tilespmem:s29+$0xC0] =	vst v0;
	v0 =	vld.idx.msk [tilespmem:v8+s13+$0x0], $0xffff  }
0x1d2: {  	v16 =	vadd.s32 s12, v5;
	[tilespmem:s29+$0x100] =	vst v12;
	v63 =	vld.idx.msk [tilespmem:v57+s13+$0x0], $0xffff  }
0x1d3: {  	[tilespmem:s29+$0x40] =	vst v9;
	v9 =	vld.idx.msk [tilespmem:v17+s13+$0x0], $0xffff  }
0x1d4: {  	v34 =	vadd.s32 s12, v26;
	v15 =	vld.idx.msk [tilespmem:v18+s13+$0x0], $0xffff;
	[tilespmem:s29+$0xA0] =	vst v24  }
0x1d5: {  	v61 =	vadd.s32 s0, v5;
	v14 =	vld.idx.msk [tilespmem:v14+s13+$0x0], $0xffff;
	[tilespmem:s29+$0xE0] =	vst v60  }
0x1d6: {  	[tilespmem:s29+$0x130] =	vst v0;
	v0 =	vld [tilespmem:$0x1FFD0]  }
0x1d7: {  	v37 =	vadd.s32 s0, v26;
	[tilespmem:s29+$0x70] =	vst v59;
	v8 =	vld.idx.msk [tilespmem:v16+s13+$0x0], $0xffff  }
0x1d8: {  	s30 =	sadd.s32 $0x40, s30;
	v36 =	vadd.s32 s0, v4;
	[tilespmem:s29+$0xB0] =	vst v9;
	v9 =	vld.idx.msk [tilespmem:v20+s13+$0x0], $0xffff  }
0x1d9: {  	p0 =	slt.u32 s30, $0x1C0;
	[tilespmem:s29+$0xD0] =	vst v15;
	v15 =	vld.idx.msk [tilespmem:v34+s13+$0x0], $0xffff  }
.Ltmp2:
0x1da: {  	v10 =	vld.idx.msk [tilespmem:v61+s13+$0x0], $0xffff;
	[tilespmem:s29+$0x180] =	vst v63;
	(pc) =	sbr.rel @p0 .LBB2_8-.Ltmp2, $4  }
0x1db: {  	v12 =	vld.idx.msk [tilespmem:v35+s13+$0x0], $0xffff;
	[tilespmem:s29+$0x110] =	vst v14  }
0x1dc: {  	[tilespmem:s29+$0x140] =	vst v8;
	v8 =	vld.idx.msk [tilespmem:v37+s13+$0x0], $0xffff  }
0x1dd: {  	[tilespmem:s29+$0x120] =	vst v9;
	v9 =	vld.idx.msk [tilespmem:v36+s13+$0x0], $0xffff  }
0x1de: {  	v6 =	vmovc v29;
	v1 =	vmovc v30;
	v5 =	vmov v31;
	v4 =	vmov v32;
	v26 =	vmov v33;
	[tilespmem:s29+$0x160] =	vst v15;
	v14 =	vld.idx.msk [tilespmem:v0+s13+$0x0], $0xffff  }
0x1df: {  	s30 =	sadd.s32 $0x800, s2  }
0x1e0: {  	v13 =	vadd.s32 s30, v3  }
0x1e1: {  	v15 =	vadd.s32 s30, v2  }
0x1e2: {  	v16 =	vadd.s32 s30, v6  }
0x1e3: {  	v41 =	vadd.s32 s30, v1  }
0x1e4: {  	[tilespmem:s29+$0x1B0] =	vst v11;
	v42 =	vadd.s32 s30, v5  }
0x1e5: {  	[tilespmem:s29+$0x1C0] =	vst v10;
	v43 =	vadd.s32 s30, v4;
	v13 =	vld.idx.msk [tilespmem:v13+s13+$0x0], $0xffff  }
0x1e6: {  	[tilespmem:s29+$0x190] =	vst v12;
	v44 =	vadd.s32 s30, v26;
	v15 =	vld.idx.msk [tilespmem:v15+s13+$0x0], $0xffff  }
0x1e7: {  	s28 =	sadd.s32 $0x380, s30;
	v17 =	vadd.s32 s30, v7;
	[tilespmem:s29+$0x1E0] =	vst v8;
	v45 =	vld.idx.msk [tilespmem:v16+s13+$0x0], $0xffff  }
0x1e8: {  	s0 =	sadd.s32 $0x80, s30;
	v0 =	vadd.s32 s28, v7;
	[tilespmem:s29+$0x1D0] =	vst v9;
	v47 =	vld.idx.msk [tilespmem:v41+s13+$0x0], $0xffff  }
0x1e9: {  	s8 =	sadd.s32 $0x400, s29;
	v46 =	vadd.s32 s0, v3;
	[tilespmem:s29+$0x1A0] =	vst v14;
	v14 =	vld.idx.msk [tilespmem:v42+s13+$0x0], $0xffff  }
0x1ea: {  	v48 =	vadd.s32 s0, v2;
	v11 =	vld.idx.msk [tilespmem:v43+s13+$0x0], $0xffff;
	[tilespmem:s8+$0xFFFFFE00] =	vst v13  }
0x1eb: {  	v52 =	vadd.s32 s0, v4;
	v10 =	vld.idx.msk [tilespmem:v44+s13+$0x0], $0xffff;
	[tilespmem:s8+$0xFFFFFE10] =	vst v15  }
0x1ec: {  	v53 =	vadd.s32 s0, v26;
	v17 =	vld.idx.msk [tilespmem:v17+s13+$0x0], $0xffff;
	[tilespmem:s8+$0xFFFFFE20] =	vst v45  }
0x1ed: {  	v50 =	vadd.s32 s0, v1;
	v0 =	vld.idx.msk [tilespmem:v0+s13+$0x0], $0xffff;
	[tilespmem:s8+$0xFFFFFE30] =	vst v47  }
0x1ee: {  	v51 =	vadd.s32 s0, v5;
	v16 =	vld.idx.msk [tilespmem:v46+s13+$0x0], $0xffff;
	[tilespmem:s8+$0xFFFFFE40] =	vst v14  }
0x1ef: {  	s6 =	sadd.s32 $0x100, s30;
	v54 =	vadd.s32 s0, v7;
	v12 =	vld.idx.msk [tilespmem:v48+s13+$0x0], $0xffff;
	[tilespmem:s8+$0xFFFFFE50] =	vst v11  }
0x1f0: {  	v55 =	vadd.s32 s6, v3;
	v9 =	vld.idx.msk [tilespmem:v52+s13+$0x0], $0xffff;
	[tilespmem:s8+$0xFFFFFE60] =	vst v10  }
0x1f1: {  	v56 =	vadd.s32 s6, v2;
	v8 =	vld.idx.msk [tilespmem:v53+s13+$0x0], $0xffff;
	[tilespmem:s8+$0xFFFFFE70] =	vst v17  }
0x1f2: {  	v57 =	vadd.s32 s6, v6;
	v13 =	vld.idx.msk [tilespmem:v50+s13+$0x0], $0xffff;
	[tilespmem:s8+$0x1F0] =	vst v0  }
0x1f3: {  	v49 =	vadd.s32 s0, v6;
	v15 =	vld.idx.msk [tilespmem:v51+s13+$0x0], $0xffff;
	[tilespmem:s8+$0xFFFFFE80] =	vst v16  }
0x1f4: {  	v58 =	vadd.s32 s6, v1;
	v14 =	vld.idx.msk [tilespmem:v54+s13+$0x0], $0xffff;
	[tilespmem:s8+$0xFFFFFE90] =	vst v12  }
0x1f5: {  	s9 =	sadd.s32 $0x180, s30;
	v59 =	vadd.s32 s6, v5;
	v11 =	vld.idx.msk [tilespmem:v55+s13+$0x0], $0xffff;
	[tilespmem:s8+$0xFFFFFED0] =	vst v9  }
0x1f6: {  	v63 =	vadd.s32 s9, v3;
	v10 =	vld.idx.msk [tilespmem:v56+s13+$0x0], $0xffff;
	[tilespmem:s8+$0xFFFFFEE0] =	vst v8  }
0x1f7: {  	v20 =	vadd.s32 s9, v2;
	s29 =	sadd.s32 $0x300, s30;
	v17 =	vld.idx.msk [tilespmem:v57+s13+$0x0], $0xffff;
	[tilespmem:s8+$0xFFFFFEB0] =	vst v13  }
0x1f8: {  	v48 =	vadd.s32 s29, v5;
	v0 =	vld.idx.msk [tilespmem:v49+s13+$0x0], $0xffff;
	[tilespmem:s8+$0xFFFFFEC0] =	vst v15  }
0x1f9: {  	v52 =	vadd.s32 s28, v3;
	v16 =	vld.idx.msk [tilespmem:v58+s13+$0x0], $0xffff;
	[tilespmem:s8+$0xFFFFFEF0] =	vst v14  }
0x1fa: {  	v61 =	vadd.s32 s6, v26;
	v12 =	vld.idx.msk [tilespmem:v59+s13+$0x0], $0xffff;
	[tilespmem:s8+$0xFFFFFF00] =	vst v11  }
0x1fb: {  	v62 =	vadd.s32 s6, v7;
	v9 =	vld.idx.msk [tilespmem:v63+s13+$0x0], $0xffff;
	[tilespmem:s8+$0xFFFFFF10] =	vst v10  }
0x1fc: {  	s10 =	sadd.s32 $0x200, s30;
	v21 =	vadd.s32 s9, v6;
	v8 =	vld.idx.msk [tilespmem:v20+s13+$0x0], $0xffff;
	[tilespmem:s8+$0xFFFFFF20] =	vst v17  }
0x1fd: {  	s12 =	sadd.s32 $0x280, s30;
	v22 =	vadd.s32 s9, v1;
	v23 =	vadd.s32 s9, v5;
	v28 =	vadd.s32 s10, v3;
	v55 =	vld.idx.msk [tilespmem:v48+s13+$0x0], $0xffff;
	[tilespmem:s8+$0xFFFFFEA0] =	vst v0  }
0x1fe: {  	v36 =	vadd.s32 s12, v3;
	v44 =	vadd.s32 s29, v3;
	v3 =	vld.idx.msk [tilespmem:v52+s13+$0x0], $0xffff;
	[tilespmem:s8+$0xFFFFFF30] =	vst v16  }
0x1ff: {  	v24 =	vadd.s32 s9, v4;
	v13 =	vld.idx.msk [tilespmem:v61+s13+$0x0], $0xffff;
	[tilespmem:s8+$0xFFFFFF40] =	vst v12  }
0x200: {  	v47 =	vadd.s32 s29, v1;
	v15 =	vld.idx.msk [tilespmem:v62+s13+$0x0], $0xffff;
	[tilespmem:s8+$0xFFFFFF80] =	vst v9  }
0x201: {  	v51 =	vadd.s32 s29, v7;
	v14 =	vld.idx.msk [tilespmem:v21+s13+$0x0], $0xffff;
	[tilespmem:s8+$0xFFFFFF90] =	vst v8  }
0x202: {  	v54 =	vadd.s32 s28, v2;
	v11 =	vld.idx.msk [tilespmem:v22+s13+$0x0], $0xffff;
	[tilespmem:s8+$0x140] =	vst v55  }
0x203: {  	v56 =	vadd.s32 s28, v6;
	v10 =	vld.idx.msk [tilespmem:v23+s13+$0x0], $0xffff;
	[tilespmem:s8+$0x180] =	vst v3  }
0x204: {  	v60 =	vadd.s32 s6, v4;
	v25 =	vadd.s32 s9, v26;
	v27 =	vadd.s32 s9, v7;
	v17 =	vld.idx.msk [tilespmem:v24+s13+$0x0], $0xffff;
	[tilespmem:s8+$0xFFFFFF60] =	vst v13  }
0x205: {  	v29 =	vadd.s32 s10, v2;
	v30 =	vadd.s32 s10, v6;
	v31 =	vadd.s32 s10, v1;
	v53 =	vld.idx.msk [tilespmem:v47+s13+$0x0], $0xffff;
	[tilespmem:s8+$0xFFFFFF70] =	vst v15  }
0x206: {  	v32 =	vadd.s32 s10, v5;
	v35 =	vadd.s32 s10, v7;
	v43 =	vadd.s32 s12, v7;
	v7 =	vld.idx.msk [tilespmem:v51+s13+$0x0], $0xffff;
	[tilespmem:s8+$0xFFFFFFA0] =	vst v14  }
0x207: {  	v37 =	vadd.s32 s12, v2;
	v45 =	vadd.s32 s29, v2;
	v2 =	vld.idx.msk [tilespmem:v54+s13+$0x0], $0xffff;
	[tilespmem:s8+$0xFFFFFFB0] =	vst v11  }
0x208: {  	v38 =	vadd.s32 s12, v6;
	v46 =	vadd.s32 s29, v6;
	v6 =	vld.idx.msk [tilespmem:v56+s13+$0x0], $0xffff;
	[tilespmem:s8+$0xFFFFFFC0] =	vst v10  }
0x209: {  	v49 =	vadd.s32 s29, v4;
	v0 =	vld.idx.msk [tilespmem:v60+s13+$0x0], $0xffff;
	[tilespmem:s8+$0xFFFFFFD0] =	vst v17  }
0x20a: {  	v58 =	vadd.s32 s28, v1;
	v16 =	vld.idx.msk [tilespmem:v25+s13+$0x0], $0xffff;
	[tilespmem:s8+$0x130] =	vst v53  }
0x20b: {  	v59 =	vadd.s32 s28, v5;
	v12 =	vld.idx.msk [tilespmem:v27+s13+$0x0], $0xffff;
	[tilespmem:s8+$0x170] =	vst v7  }
0x20c: {  	v9 =	vld.idx.msk [tilespmem:v31+s13+$0x0], $0xffff;
	[tilespmem:s8+$0x190] =	vst v2  }
0x20d: {  	v8 =	vld.idx.msk [tilespmem:v32+s13+$0x0], $0xffff;
	[tilespmem:s8+$0x1A0] =	vst v6  }
0x20e: {  	v33 =	vadd.s32 s10, v4;
	v57 =	vld.idx.msk [tilespmem:v49+s13+$0x0], $0xffff;
	[tilespmem:s8+$0xFFFFFF50] =	vst v0  }
0x20f: {  	v34 =	vadd.s32 s10, v26;
	v39 =	vadd.s32 s12, v1;
	v1 =	vld.idx.msk [tilespmem:v58+s13+$0x0], $0xffff;
	[tilespmem:s8+$0xFFFFFFE0] =	vst v16  }
0x210: {  	v62 =	vld.idx.msk [tilespmem:v59+s13+$0x0], $0xffff;
	[tilespmem:s8+$0xFFFFFFF0] =	vst v12  }
0x211: {  	v13 =	vld.idx.msk [tilespmem:v29+s13+$0x0], $0xffff;
	[tilespmem:s8+$0x30] =	vst v9  }
0x212: {  	v61 =	vadd.s32 s28, v26;
	v15 =	vld.idx.msk [tilespmem:v30+s13+$0x0], $0xffff;
	[tilespmem:s8+$0x40] =	vst v8  }
0x213: {  	v14 =	vld.idx.msk [tilespmem:v33+s13+$0x0], $0xffff;
	[tilespmem:s8+$0x150] =	vst v57  }
0x214: {  	v11 =	vld.idx.msk [tilespmem:v34+s13+$0x0], $0xffff;
	[tilespmem:s8+$0x1B0] =	vst v1  }
0x215: {  	v10 =	vld.idx.msk [tilespmem:v35+s13+$0x0], $0xffff;
	[tilespmem:s8+$0x1C0] =	vst v62  }
0x216: {  	v42 =	vadd.s32 s12, v26;
	v17 =	vld.idx.msk [tilespmem:v36+s13+$0x0], $0xffff;
	[tilespmem:s8+$0x10] =	vst v13  }
0x217: {  	v63 =	vld.idx.msk [tilespmem:v61+s13+$0x0], $0xffff;
	[tilespmem:s8+$0x20] =	vst v15  }
0x218: {  	v60 =	vadd.s32 s28, v4;
	v0 =	vld.idx.msk [tilespmem:v28+s13+$0x0], $0xffff;
	[tilespmem:s8+$0x50] =	vst v14  }
0x219: {  	v40 =	vadd.s32 s12, v5;
	v16 =	vld.idx.msk [tilespmem:v37+s13+$0x0], $0xffff;
	[tilespmem:s8+$0x60] =	vst v11  }
0x21a: {  	v12 =	vld.idx.msk [tilespmem:v38+s13+$0x0], $0xffff;
	[tilespmem:s8+$0x70] =	vst v10  }
0x21b: {  	v41 =	vadd.s32 s12, v4;
	v9 =	vld.idx.msk [tilespmem:v42+s13+$0x0], $0xffff;
	[tilespmem:s8+$0x80] =	vst v17  }
0x21c: {  	v8 =	vld.idx.msk [tilespmem:v43+s13+$0x0], $0xffff;
	[tilespmem:s8+$0x1E0] =	vst v63  }
0x21d: {  	v4 =	vld.idx.msk [tilespmem:v60+s13+$0x0], $0xffff;
	[tilespmem:s8+$0x0] =	vst v0  }
0x21e: {  	v13 =	vld.idx.msk [tilespmem:v40+s13+$0x0], $0xffff;
	[tilespmem:s8+$0x90] =	vst v16  }
0x21f: {  	v50 =	vadd.s32 s29, v26;
	v0 =	vld.idx.msk [tilespmem:v39+s13+$0x0], $0xffff;
	[tilespmem:s8+$0xA0] =	vst v12  }
0x220: {  	v15 =	vld.idx.msk [tilespmem:v41+s13+$0x0], $0xffff;
	[tilespmem:s8+$0xE0] =	vst v9  }
0x221: {  	s31 =	sshll.u32 s25, $0x3;
	s30 =	sshrl.u32 s25, $0x1;
	v14 =	vld.idx.msk [tilespmem:v44+s13+$0x0], $0xffff;
	[tilespmem:s8+$0xF0] =	vst v8  }
0x222: {  	s6 =	sand.u32 $0x8, s31;
	s0 =	sadd.s32 s22, s30;
	v11 =	vld.idx.msk [tilespmem:v45+s13+$0x0], $0xffff;
	[tilespmem:s8+$0x1D0] =	vst v4  }
0x223: {  	s6 =	sadd.s32 s20, s6;
	s0 =	smul.u32 $0xC0, s0;
	v10 =	vld.idx.msk [tilespmem:v46+s13+$0x0], $0xffff;
	[tilespmem:s8+$0xC0] =	vst v13  }
0x224: {  	s6 =	smul.u32 $0xC, s6;
	s25 =	sadd.s32 $0x1, s25;
	[tilespmem:s8+$0xB0] =	vst v0;
	v0 =	vld.idx.msk [tilespmem:v50+s13+$0x0], $0xffff  }
0x225: {  	p0 =	sne.s32 s25, $0x4;
	s0 =	sor.u32 s21, s0;
	[tilespmem:s8+$0xD0] =	vst v15  }
.Ltmp3:
0x226: {  	s0 =	sadd.s32 s6, s0;
	[tilespmem:s8+$0x100] =	vst v14;
	(pc) =	sbr.rel @p0 .LBB2_7-.Ltmp3, $4  }
0x227: {  	s0 =	sshll.u32 s0, $0xA;
	[tilespmem:s8+$0x110] =	vst v11  }
0x228: {  	s0 =	sand.u32 $0x1FFFFC00, s0;
	[tilespmem:s8+$0x120] =	vst v10  }
0x229: {  	s24 =	sadd.s32 $0x2000, s24;
	s0 =	sadd.s32 s4, s0;
	[tilespmem:s8+$0x160] =	vst v0  }
0x22a: {  	[hbm4b:s0+s5] =	stream.linear.scatter [tilespmem:s26], [sflag:$0x3], $0x2000, $0x38;
	[tilespmem:$0x18200] =	vst v63  }
0x22b: {  	s19 =	sadd.s32 $0x1, s19  }
0x22c: {  	p0 =	sne.s32 s19, $0x12  }
.Ltmp4:
0x22d: {  	_ = 	snop;
	(pc) =	sbr.rel @p0 .LBB2_2-.Ltmp4, $1  }
0x22e: {  	_ =	sdelay $0x3  }
0x22f: {  	_ =	swait.ge [sflag:s16], $0x2000  }
0x230: {  	[sflag:s16] =	ssyncset.done $0x0  }
0x231: {  	[sflag:s16] =	ssyncadd.s32 $0xFFFFE000  }
0x232: {  	_ =	swait.ge [sflag:s16], $0x2000  }
0x233: {  	[sflag:s16] =	ssyncset.done $0x0  }
0x234: {  	[sflag:s16] =	ssyncadd.s32 $0xFFFFE000  }
0x235: {  	_ =	swait.ge [sflag:s16], $0x2000  }
0x236: {  	[sflag:s16] =	ssyncset.done $0x0  }
0x237: {  	[sflag:s16] =	ssyncadd.s32 $0xFFFFE000  }
0x238: {  	_ =	swait.ge [sflag:s16], $0x2000  }
0x239: {  	s18 =	sadd.s32 $0x1, s18;
	s0 =	rddreg [dreg:$0x7]  }
0x23a: {  	p0 =	sne.s32 s18, s0  }
.Ltmp5:
0x23b: {  	_ = 	snop;
	(pc) =	sbr.rel @p0 .LBB2_1-.Ltmp5, $3  }
0x23c: {  	_ =	sdelay $0x1  }
0x23d: {  	[sflag:s16] =	ssyncset.done $0x0  }
0x23e: {  	[sflag:s16] =	ssyncadd.s32 $0xFFFFE000  }
0x23f: {  	_ =	sfence.sel $0x180000  }
0x240: {  	[bflag:$0x0] =	sbarrier.arrive $0xFFFF  }
0x241: {  	_ =	strace $0x90000047  }
0x242: {  	s0 =	stileid.u32;
	[bflag:$0x2] =	sbarrier.arrive $0xFFFF  }
0x243: {  	p0 =	sne.s32 s0, $0x0;
	s0 =	rddreg [dreg:$0x3]  }
0x244: {  	s0 =	sadd.s32 @!p0 $0x100000, s0  }
0x245: {  	[sflag:s0] =	ssyncadd.tile.s32 @!p0 $0x1;
	_ =	shalt  }
.Lfunc_end2:
_tile_overlayer_lowered:
.L_overlay_start_2:
0x246: {  	(tag) =	ssettag $0x2  }
0x247: {  	s0 =	rddreg [dreg:$0x0];
	s2 =	stileid.u32  }
0x248: {  	s1 =	rddreg [dreg:$0x1];
	p0 =	sne.s32 s2, $0x0  }
0x249: {  	s3 =	rddreg [dreg:$0x2];
	[bflag:$0x3] =	sbarrier.arrive $0xFFFF;
	s2 =	simm.s32 @!p0 $0x1C04  }
0x24a: {  	[timem:s3], [sflag:s2] =	dma.local @!p0 [hbm:s0], s1  }
0x24b: {  	s0 =	simm.s32 @!p0 $0x4  }
0x24c: {  	_ =	swait.ge @!p0 [sflag:s0], s1  }
0x24d: {  	s1 =	ssub.s32 @!p0 $0x0, s1;
	[sflag:s0] =	ssyncset.done @!p0 $0x0  }
0x24e: {  	[sflag:s0] =	ssyncadd.s32 @!p0 s1  }
0x24f: {  	[bflag:$0x3] =	sbarrier.arrive $0xFFFF  }
0x250: {  	_ =	shalt  }

</sc_bundles>
